<compile_context>
chip_gen: v7x
topology: tpu7x:2x2x1
jax: 0.10.2.dev20260603
libtpu: 0.0.44.dev20260713+nightly
codegen_flags: <defaults>
</compile_context>

<pallas_src>
import functools

import jax
import jax.numpy as jnp
from jax import lax
from jax.experimental import pallas as pl
from jax.experimental.pallas import tpu as pltpu
from jax.experimental.pallas import tpu_sc as plsc

_K = 16
_L = 16


def _sc_compact_body(sw_hbm, idx_out, na_out, sw_v, wb, vals_v, pos_v, z_v, na_v):
    first_tile = (lax.axis_index("c") == 0) & (lax.axis_index("s") == 0)

    @pl.when(first_tile)
    def _():
        B = sw_v.shape[0]
        MAXA = 2 * B
        pltpu.sync_copy(sw_hbm, sw_v)
        zeros = jnp.zeros((_L,), jnp.int32)
        wb[pl.ds(0, _L)] = zeros
        for t in range(MAXA // _L):
            z_v[pl.ds(t * _L, _L)] = zeros

        offset = jnp.int32(0)
        lane = jnp.arange(_L, dtype=jnp.int32)
        for i in range(B // _L):
            v = sw_v[pl.ds(i * _L, _L)]
            mi = jnp.minimum(v, 1)
            c = mi
            for d in (1, 2, 4, 8):
                wb[pl.ds(_L, _L)] = c
                c = c + wb[pl.ds(_L - d, _L)]
            base3 = (lane + (i * _L)) * 3
            r2 = (offset + c - 1) * 2
            inact = 1 - mi
            dump = MAXA + lane
            vals_v[pl.ds(i * _L, _L)] = base3
            vals_v[pl.ds(B + i * _L, _L)] = base3 + 3 - v
            pos_v[pl.ds(i * _L, _L)] = r2 * mi + inact * dump
            pos_v[pl.ds(B + i * _L, _L)] = (r2 + 1) * mi + inact * dump
            offset = offset + c[_L - 1]

        na_v[...] = jnp.full((_L,), 2 * offset, jnp.int32)
        pltpu.sync_copy(z_v, idx_out.at[pl.ds(0, MAXA)])
        pltpu.sync_copy(vals_v, idx_out.at[pos_v])
        pltpu.sync_copy(na_v, na_out)


def _sc_compact(seg_weight):
    B = seg_weight.shape[0]
    MAXA = 2 * B
    mesh = plsc.VectorSubcoreMesh(core_axis_name="c", subcore_axis_name="s")
    fn = functools.partial(
        pl.kernel,
        mesh=mesh,
        out_type=[
            jax.ShapeDtypeStruct((MAXA + _L,), jnp.int32),
            jax.ShapeDtypeStruct((_L,), jnp.int32),
        ],
        scratch_types=[
            pltpu.VMEM((B,), jnp.int32),
            pltpu.VMEM((2 * _L,), jnp.int32),
            pltpu.VMEM((MAXA,), jnp.int32),
            pltpu.VMEM((MAXA,), jnp.int32),
            pltpu.VMEM((MAXA,), jnp.int32),
            pltpu.VMEM((_L,), jnp.int32),
        ],
    )(_sc_compact_body)
    return fn(seg_weight)


def _tc_body(idx_ref, meta_ref, *refs, plane_elems):
    x_refs = refs[:_K]
    out_ref = refs[_K]
    acc_ref = refs[_K + 1]
    j = pl.program_id(0)
    na = meta_ref[0]

    @pl.when(j == 0)
    def _init():
        acc_ref[...] = jnp.zeros_like(acc_ref)

    for k in range(_K):
        g = j * _K + k

        @pl.when(g < na)
        def _acc(x_ref=x_refs[k]):
            s = jax.nn.sigmoid(x_ref[0])
            h = s.shape[0] // 8
            acc_ref[...] = acc_ref[...] + jnp.sum(s.reshape(h, 8, s.shape[1]), axis=0)

    @pl.when(j == pl.num_programs(0) - 1)
    def _finish():
        denom = 0.5 * na.astype(jnp.float32) * (3.0 * plane_elems) + 1.0
        total = jnp.sum(acc_ref[...], keepdims=True)
        out_ref[...] = total / denom


def kernel(inputs, seg_weight):
    B, C, H, W = inputs.shape
    P = B * C
    x = inputs.reshape(P, H, W)
    MAXA = 2 * B

    idx_pad, na_vec = _sc_compact(seg_weight.astype(jnp.int32))
    idx = idx_pad[:MAXA]
    na = na_vec[:1]

    def make_map(k):
        def x_map(j, idx_ref, meta_ref):
            g = j * _K + k
            g = jnp.maximum(jnp.minimum(g, meta_ref[0] - 1), 0)
            return (idx_ref[g], 0, 0)
        return x_map

    out = pl.pallas_call(
        functools.partial(_tc_body, plane_elems=float(H * W)),
        grid_spec=pltpu.PrefetchScalarGridSpec(
            num_scalar_prefetch=2,
            grid=(MAXA // _K,),
            in_specs=[pl.BlockSpec((1, H, W), make_map(k)) for k in range(_K)],
            out_specs=pl.BlockSpec((1, 1), lambda j, *_: (0, 0)),
            scratch_shapes=[pltpu.VMEM((8, W), jnp.float32)],
        ),
        out_shape=jax.ShapeDtypeStruct((1, 1), jnp.float32),
        compiler_params=pltpu.CompilerParams(
            dimension_semantics=("arbitrary",),
        ),
    )(idx, na, *([x] * _K))

    return out[0, 0]

# --- scband reference (transcript-rebuilt; emitter-appended) ---
"""Pipeline reference for scband-consitency-loss-81587198754830 (READ-ONLY COPY).

The authoritative reference and input builder live on the scoring server;
editing this copy changes nothing except your own understanding.
"""

import jax, jax.numpy as jnp
import numpy as np


def setup_inputs(seed: int = 0) -> dict:
    key = jax.random.key(seed)
    k1, k2 = jax.random.split(key)
    inputs = jax.random.normal(k1, (64, 3, 480, 480), dtype=jnp.float32)
    seg_weight = jax.random.randint(k2, (64,), 0, 3, dtype=jnp.int32)
    return {"inputs": inputs, "seg_weight": seg_weight}


def reference(inputs, seg_weight):
    # Faithful translation of:
    #   new_inputs = inputs[seg_weight != 0]; new_seg_weight = seg_weight[seg_weight != 0]
    #   ones = ones_like(new_inputs); ones[i][new_seg_weight[i]] = 0
    #   loss = nansum((sigmoid(new_inputs) * ones).sum()) / ((new_seg_weight != 0).sum()*480*480*3 + 1)
    # Implemented with static shapes: batch mask replaces boolean gather,
    # channel zeroing via (1 - one_hot).
    C = inputs.shape[1]
    batch_mask = (seg_weight != 0).astype(jnp.float32)  # [B]
    ch_mask = 1.0 - jax.nn.one_hot(seg_weight, C, dtype=jnp.float32)  # [B, C]
    ones = ch_mask[:, :, None, None] * batch_mask[:, None, None, None]  # [B, C, 1, 1]
    total = jnp.nansum(jnp.sum(jax.nn.sigmoid(inputs) * ones))
    count = jnp.sum(seg_weight != 0).astype(jnp.float32)
    denom = count * 480.0 * 480.0 * 3.0 + 1.0
    return total / denom

if __name__ == "__main__":
    import jax
    _d = setup_inputs()
    print(jax.jit(kernel)(*tuple(_d.values())))

</pallas_src>

<mosaic_0001>
#map = affine_map<(d0, d1) -> (0)>
module attributes {stable_mosaic.version = 14 : i64} {
  func.func @_sc_compact_body(%arg0: i32, %arg1: i32, %arg2: memref<64xi32, #tpu.memory_space<hbm>>, %arg3: memref<144xi32, #tpu.memory_space<hbm>>, %arg4: memref<16xi32, #tpu.memory_space<hbm>>, %arg5: memref<64xi32, #tpu.memory_space<vmem>>, %arg6: memref<32xi32, #tpu.memory_space<vmem>>, %arg7: memref<128xi32, #tpu.memory_space<vmem>>, %arg8: memref<128xi32, #tpu.memory_space<vmem>>, %arg9: memref<128xi32, #tpu.memory_space<vmem>>, %arg10: memref<16xi32, #tpu.memory_space<vmem>>) attributes {dimension_semantics = [#tpu.dimension_semantics<core_parallel>, #tpu.dimension_semantics<subcore_parallel>], iteration_bounds = array<i64: 2, 16>, scalar_prefetch = 0 : i64, scratch_operands = 6 : i64, tpu.core_type = #tpu.core_type<sc_vector_subcore>, window_params = [{transform_indices = #map}, {transform_indices = #map}, {transform_indices = #map}]} {
    %eq3A = arith.constant 0 : i32
    %eq3A_0 = arith.cmpi eq, %arg0, %eq3A : i32
    %eq3A_1 = arith.constant 0 : i32
    %eq3A_2 = arith.cmpi eq, %arg1, %eq3A_1 : i32
    %and3A = arith.andi %eq3A_0, %eq3A_2 : i1
    %convert_element_type3A = arith.extui %and3A : i1 to i32
    %cond3A = arith.constant 0 : i32
    %cond3A_3 = arith.cmpi ne, %convert_element_type3A, %cond3A : i32
    scf.if %cond3A_3 {
      "tpu.region"() ({
        %run_scoped3A = tpu.sem_alloc : memref<!tpu.dma_semaphore, #tpu.memory_space<semaphore_mem>>
        tpu.enqueue_dma source(%arg2 : memref<64xi32, #tpu.memory_space<hbm>>) target(%arg5 : memref<64xi32, #tpu.memory_space<vmem>>) target_semaphore(%run_scoped3A : memref<!tpu.dma_semaphore, #tpu.memory_space<semaphore_mem>>)
        tpu.wait_dma2 semaphore(%run_scoped3A : memref<!tpu.dma_semaphore, #tpu.memory_space<semaphore_mem>>) src(%arg2 : memref<64xi32, #tpu.memory_space<hbm>>) dst(%arg5 : memref<64xi32, #tpu.memory_space<vmem>>)
        tpu.yield
      }) : () -> ()
      %broadcast_in_dim3A = arith.constant 0 : i32
      %broadcast_in_dim3A_4 = vector.broadcast %broadcast_in_dim3A : i32 to vector<16xi32>
      %swap3A = arith.constant 0 : index
      %swap3A_5 = tpu.vector_load %arg6[%swap3A] {strides = array<i32>} : memref<32xi32, #tpu.memory_space<vmem>>, vector<16xi32>,
      %swap3A_6 = vector.shape_cast %swap3A_5 : vector<16xi32> to vector<16xi32>
      %swap3A_7 = vector.shape_cast %broadcast_in_dim3A_4 : vector<16xi32> to vector<16xi32>
      tpu.vector_store %arg6[%swap3A], %swap3A_7 {strides = array<i32>} : memref<32xi32, #tpu.memory_space<vmem>>, vector<16xi32>,
      %swap3A_8 = arith.constant 0 : index
      %swap3A_9 = tpu.vector_load %arg9[%swap3A_8] {strides = array<i32>} : memref<128xi32, #tpu.memory_space<vmem>>, vector<16xi32>,
      %swap3A_10 = vector.shape_cast %swap3A_9 : vector<16xi32> to vector<16xi32>
      %swap3A_11 = vector.shape_cast %broadcast_in_dim3A_4 : vector<16xi32> to vector<16xi32>
      tpu.vector_store %arg9[%swap3A_8], %swap3A_11 {strides = array<i32>} : memref<128xi32, #tpu.memory_space<vmem>>, vector<16xi32>,
      %swap3A_12 = arith.constant 16 : index
      %swap3A_13 = tpu.vector_load %arg9[%swap3A_12] {strides = array<i32>} : memref<128xi32, #tpu.memory_space<vmem>>, vector<16xi32>,
      %swap3A_14 = vector.shape_cast %swap3A_13 : vector<16xi32> to vector<16xi32>
      %swap3A_15 = vector.shape_cast %broadcast_in_dim3A_4 : vector<16xi32> to vector<16xi32>
      tpu.vector_store %arg9[%swap3A_12], %swap3A_15 {strides = array<i32>} : memref<128xi32, #tpu.memory_space<vmem>>, vector<16xi32>,
      %swap3A_16 = arith.constant 32 : index
      %swap3A_17 = tpu.vector_load %arg9[%swap3A_16] {strides = array<i32>} : memref<128xi32, #tpu.memory_space<vmem>>, vector<16xi32>,
      %swap3A_18 = vector.shape_cast %swap3A_17 : vector<16xi32> to vector<16xi32>
      %swap3A_19 = vector.shape_cast %broadcast_in_dim3A_4 : vector<16xi32> to vector<16xi32>
      tpu.vector_store %arg9[%swap3A_16], %swap3A_19 {strides = array<i32>} : memref<128xi32, #tpu.memory_space<vmem>>, vector<16xi32>,
      %swap3A_20 = arith.constant 48 : index
      %swap3A_21 = tpu.vector_load %arg9[%swap3A_20] {strides = array<i32>} : memref<128xi32, #tpu.memory_space<vmem>>, vector<16xi32>,
      %swap3A_22 = vector.shape_cast %swap3A_21 : vector<16xi32> to vector<16xi32>
      %swap3A_23 = vector.shape_cast %broadcast_in_dim3A_4 : vector<16xi32> to vector<16xi32>
      tpu.vector_store %arg9[%swap3A_20], %swap3A_23 {strides = array<i32>} : memref<128xi32, #tpu.memory_space<vmem>>, vector<16xi32>,
      %swap3A_24 = arith.constant 64 : index
      %swap3A_25 = tpu.vector_load %arg9[%swap3A_24] {strides = array<i32>} : memref<128xi32, #tpu.memory_space<vmem>>, vector<16xi32>,
      %swap3A_26 = vector.shape_cast %swap3A_25 : vector<16xi32> to vector<16xi32>
      %swap3A_27 = vector.shape_cast %broadcast_in_dim3A_4 : vector<16xi32> to vector<16xi32>
      tpu.vector_store %arg9[%swap3A_24], %swap3A_27 {strides = array<i32>} : memref<128xi32, #tpu.memory_space<vmem>>, vector<16xi32>,
      %swap3A_28 = arith.constant 80 : index
      %swap3A_29 = tpu.vector_load %arg9[%swap3A_28] {strides = array<i32>} : memref<128xi32, #tpu.memory_space<vmem>>, vector<16xi32>,
      %swap3A_30 = vector.shape_cast %swap3A_29 : vector<16xi32> to vector<16xi32>
      %swap3A_31 = vector.shape_cast %broadcast_in_dim3A_4 : vector<16xi32> to vector<16xi32>
      tpu.vector_store %arg9[%swap3A_28], %swap3A_31 {strides = array<i32>} : memref<128xi32, #tpu.memory_space<vmem>>, vector<16xi32>,
      %swap3A_32 = arith.constant 96 : index
      %swap3A_33 = tpu.vector_load %arg9[%swap3A_32] {strides = array<i32>} : memref<128xi32, #tpu.memory_space<vmem>>, vector<16xi32>,
      %swap3A_34 = vector.shape_cast %swap3A_33 : vector<16xi32> to vector<16xi32>
      %swap3A_35 = vector.shape_cast %broadcast_in_dim3A_4 : vector<16xi32> to vector<16xi32>
      tpu.vector_store %arg9[%swap3A_32], %swap3A_35 {strides = array<i32>} : memref<128xi32, #tpu.memory_space<vmem>>, vector<16xi32>,
      %swap3A_36 = arith.constant 112 : index
      %swap3A_37 = tpu.vector_load %arg9[%swap3A_36] {strides = array<i32>} : memref<128xi32, #tpu.memory_space<vmem>>, vector<16xi32>,
      %swap3A_38 = vector.shape_cast %swap3A_37 : vector<16xi32> to vector<16xi32>
      %swap3A_39 = vector.shape_cast %broadcast_in_dim3A_4 : vector<16xi32> to vector<16xi32>
      tpu.vector_store %arg9[%swap3A_36], %swap3A_39 {strides = array<i32>} : memref<128xi32, #tpu.memory_space<vmem>>, vector<16xi32>,
      %iota3A = tpu.iota {dimensions = array<i32: 0>} : vector<16xi32>
      %get3A = arith.constant 0 : index
      %get3A_40 = tpu.vector_load %arg5[%get3A] {strides = array<i32>} : memref<64xi32, #tpu.memory_space<vmem>>, vector<16xi32>,
      %get3A_41 = vector.shape_cast %get3A_40 : vector<16xi32> to vector<16xi32>
      %min3A = arith.constant 1 : i32
      %min3A_42 = vector.broadcast %min3A : i32 to vector<16xi32>
      %min3A_43 = arith.minsi %get3A_41, %min3A_42 : vector<16xi32>
      %swap3A_44 = arith.constant 16 : index
      %swap3A_45 = tpu.vector_load %arg6[%swap3A_44] {strides = array<i32>} : memref<32xi32, #tpu.memory_space<vmem>>, vector<16xi32>,
      %swap3A_46 = vector.shape_cast %swap3A_45 : vector<16xi32> to vector<16xi32>
      %swap3A_47 = vector.shape_cast %min3A_43 : vector<16xi32> to vector<16xi32>
      tpu.vector_store %arg6[%swap3A_44], %swap3A_47 {strides = array<i32>} : memref<32xi32, #tpu.memory_space<vmem>>, vector<16xi32>,
      %get3A_48 = arith.constant 15 : index
      %get3A_49 = tpu.vector_load %arg6[%get3A_48] {strides = array<i32>} : memref<32xi32, #tpu.memory_space<vmem>>, vector<16xi32>,
      %get3A_50 = vector.shape_cast %get3A_49 : vector<16xi32> to vector<16xi32>
      %add3A = arith.addi %min3A_43, %get3A_50 : vector<16xi32>
      %swap3A_51 = arith.constant 16 : index
      %swap3A_52 = tpu.vector_load %arg6[%swap3A_51] {strides = array<i32>} : memref<32xi32, #tpu.memory_space<vmem>>, vector<16xi32>,
      %swap3A_53 = vector.shape_cast %swap3A_52 : vector<16xi32> to vector<16xi32>
      %swap3A_54 = vector.shape_cast %add3A : vector<16xi32> to vector<16xi32>
      tpu.vector_store %arg6[%swap3A_51], %swap3A_54 {strides = array<i32>} : memref<32xi32, #tpu.memory_space<vmem>>, vector<16xi32>,
      %get3A_55 = arith.constant 14 : index
      %get3A_56 = tpu.vector_load %arg6[%get3A_55] {strides = array<i32>} : memref<32xi32, #tpu.memory_space<vmem>>, vector<16xi32>,
      %get3A_57 = vector.shape_cast %get3A_56 : vector<16xi32> to vector<16xi32>
      %add3A_58 = arith.addi %add3A, %get3A_57 : vector<16xi32>
      %swap3A_59 = arith.constant 16 : index
      %swap3A_60 = tpu.vector_load %arg6[%swap3A_59] {strides = array<i32>} : memref<32xi32, #tpu.memory_space<vmem>>, vector<16xi32>,
      %swap3A_61 = vector.shape_cast %swap3A_60 : vector<16xi32> to vector<16xi32>
      %swap3A_62 = vector.shape_cast %add3A_58 : vector<16xi32> to vector<16xi32>
      tpu.vector_store %arg6[%swap3A_59], %swap3A_62 {strides = array<i32>} : memref<32xi32, #tpu.memory_space<vmem>>, vector<16xi32>,
      %get3A_63 = arith.constant 12 : index
      %get3A_64 = tpu.vector_load %arg6[%get3A_63] {strides = array<i32>} : memref<32xi32, #tpu.memory_space<vmem>>, vector<16xi32>,
      %get3A_65 = vector.shape_cast %get3A_64 : vector<16xi32> to vector<16xi32>
      %add3A_66 = arith.addi %add3A_58, %get3A_65 : vector<16xi32>
      %swap3A_67 = arith.constant 16 : index
      %swap3A_68 = tpu.vector_load %arg6[%swap3A_67] {strides = array<i32>} : memref<32xi32, #tpu.memory_space<vmem>>, vector<16xi32>,
      %swap3A_69 = vector.shape_cast %swap3A_68 : vector<16xi32> to vector<16xi32>
      %swap3A_70 = vector.shape_cast %add3A_66 : vector<16xi32> to vector<16xi32>
      tpu.vector_store %arg6[%swap3A_67], %swap3A_70 {strides = array<i32>} : memref<32xi32, #tpu.memory_space<vmem>>, vector<16xi32>,
      %get3A_71 = arith.constant 8 : index
      %get3A_72 = tpu.vector_load %arg6[%get3A_71] {strides = array<i32>} : memref<32xi32, #tpu.memory_space<vmem>>, vector<16xi32>,
      %get3A_73 = vector.shape_cast %get3A_72 : vector<16xi32> to vector<16xi32>
      %add3A_74 = arith.addi %add3A_66, %get3A_73 : vector<16xi32>
      %add3A_75 = arith.constant 0 : i32
      %add3A_76 = vector.broadcast %add3A_75 : i32 to vector<16xi32>
      %add3A_77 = arith.addi %iota3A, %add3A_76 : vector<16xi32>
      %mul3A = arith.constant 3 : i32
      %mul3A_78 = vector.broadcast %mul3A : i32 to vector<16xi32>
      %mul3A_79 = arith.muli %add3A_77, %mul3A_78 : vector<16xi32>
      %add3A_80 = arith.constant 0 : i32
      %add3A_81 = vector.broadcast %add3A_80 : i32 to vector<16xi32>
      %add3A_82 = arith.addi %add3A_81, %add3A_74 : vector<16xi32>
      %sub3A = arith.constant 1 : i32
      %sub3A_83 = vector.broadcast %sub3A : i32 to vector<16xi32>
      %sub3A_84 = arith.subi %add3A_82, %sub3A_83 : vector<16xi32>
      %mul3A_85 = arith.constant 2 : i32
      %mul3A_86 = vector.broadcast %mul3A_85 : i32 to vector<16xi32>
      %mul3A_87 = arith.muli %sub3A_84, %mul3A_86 : vector<16xi32>
      %sub3A_88 = arith.constant 1 : i32
      %sub3A_89 = vector.broadcast %sub3A_88 : i32 to vector<16xi32>
      %sub3A_90 = arith.subi %sub3A_89, %min3A_43 : vector<16xi32>
      %add3A_91 = arith.constant 128 : i32
      %add3A_92 = vector.broadcast %add3A_91 : i32 to vector<16xi32>
      %add3A_93 = arith.addi %add3A_92, %iota3A : vector<16xi32>
      %swap3A_94 = arith.constant 0 : index
      %swap3A_95 = tpu.vector_load %arg7[%swap3A_94] {strides = array<i32>} : memref<128xi32, #tpu.memory_space<vmem>>, vector<16xi32>,
      %swap3A_96 = vector.shape_cast %swap3A_95 : vector<16xi32> to vector<16xi32>
      %swap3A_97 = vector.shape_cast %mul3A_79 : vector<16xi32> to vector<16xi32>
      tpu.vector_store %arg7[%swap3A_94], %swap3A_97 {strides = array<i32>} : memref<128xi32, #tpu.memory_space<vmem>>, vector<16xi32>,
      %add3A_98 = arith.constant 3 : i32
      %add3A_99 = vector.broadcast %add3A_98 : i32 to vector<16xi32>
      %add3A_100 = arith.addi %mul3A_79, %add3A_99 : vector<16xi32>
      %sub3A_101 = arith.subi %add3A_100, %get3A_41 : vector<16xi32>
      %swap3A_102 = arith.constant 64 : index
      %swap3A_103 = tpu.vector_load %arg7[%swap3A_102] {strides = array<i32>} : memref<128xi32, #tpu.memory_space<vmem>>, vector<16xi32>,
      %swap3A_104 = vector.shape_cast %swap3A_103 : vector<16xi32> to vector<16xi32>
      %swap3A_105 = vector.shape_cast %sub3A_101 : vector<16xi32> to vector<16xi32>
      tpu.vector_store %arg7[%swap3A_102], %swap3A_105 {strides = array<i32>} : memref<128xi32, #tpu.memory_space<vmem>>, vector<16xi32>,
      %mul3A_106 = arith.muli %mul3A_87, %min3A_43 : vector<16xi32>
      %mul3A_107 = arith.muli %sub3A_90, %add3A_93 : vector<16xi32>
      %add3A_108 = arith.addi %mul3A_106, %mul3A_107 : vector<16xi32>
      %swap3A_109 = arith.constant 0 : index
      %swap3A_110 = tpu.vector_load %arg8[%swap3A_109] {strides = array<i32>} : memref<128xi32, #tpu.memory_space<vmem>>, vector<16xi32>,
      %swap3A_111 = vector.shape_cast %swap3A_110 : vector<16xi32> to vector<16xi32>
      %swap3A_112 = vector.shape_cast %add3A_108 : vector<16xi32> to vector<16xi32>
      tpu.vector_store %arg8[%swap3A_109], %swap3A_112 {strides = array<i32>} : memref<128xi32, #tpu.memory_space<vmem>>, vector<16xi32>,
      %add3A_113 = arith.constant 1 : i32
      %add3A_114 = vector.broadcast %add3A_113 : i32 to vector<16xi32>
      %add3A_115 = arith.addi %mul3A_87, %add3A_114 : vector<16xi32>
      %mul3A_116 = arith.muli %add3A_115, %min3A_43 : vector<16xi32>
      %mul3A_117 = arith.muli %sub3A_90, %add3A_93 : vector<16xi32>
      %add3A_118 = arith.addi %mul3A_116, %mul3A_117 : vector<16xi32>
      %swap3A_119 = arith.constant 64 : index
      %swap3A_120 = tpu.vector_load %arg8[%swap3A_119] {strides = array<i32>} : memref<128xi32, #tpu.memory_space<vmem>>, vector<16xi32>,
      %swap3A_121 = vector.shape_cast %swap3A_120 : vector<16xi32> to vector<16xi32>
      %swap3A_122 = vector.shape_cast %add3A_118 : vector<16xi32> to vector<16xi32>
      tpu.vector_store %arg8[%swap3A_119], %swap3A_122 {strides = array<i32>} : memref<128xi32, #tpu.memory_space<vmem>>, vector<16xi32>,
      %slice3A = vector.extract_strided_slice %add3A_74 {offsets = [15], sizes = [1], strides = [1]} : vector<16xi32> to vector<1xi32>
      %squeeze3A = vector.extract %slice3A[0] : i32 from vector<1xi32>
      %add3A_123 = arith.constant 0 : i32
      %add3A_124 = arith.addi %add3A_123, %squeeze3A : i32
      %get3A_125 = arith.constant 16 : index
      %get3A_126 = tpu.vector_load %arg5[%get3A_125] {strides = array<i32>} : memref<64xi32, #tpu.memory_space<vmem>>, vector<16xi32>,
      %get3A_127 = vector.shape_cast %get3A_126 : vector<16xi32> to vector<16xi32>
      %min3A_128 = arith.constant 1 : i32
      %min3A_129 = vector.broadcast %min3A_128 : i32 to vector<16xi32>
      %min3A_130 = arith.minsi %get3A_127, %min3A_129 : vector<16xi32>
      %swap3A_131 = arith.constant 16 : index
      %swap3A_132 = tpu.vector_load %arg6[%swap3A_131] {strides = array<i32>} : memref<32xi32, #tpu.memory_space<vmem>>, vector<16xi32>,
      %swap3A_133 = vector.shape_cast %swap3A_132 : vector<16xi32> to vector<16xi32>
      %swap3A_134 = vector.shape_cast %min3A_130 : vector<16xi32> to vector<16xi32>
      tpu.vector_store %arg6[%swap3A_131], %swap3A_134 {strides = array<i32>} : memref<32xi32, #tpu.memory_space<vmem>>, vector<16xi32>,
      %get3A_135 = arith.constant 15 : index
      %get3A_136 = tpu.vector_load %arg6[%get3A_135] {strides = array<i32>} : memref<32xi32, #tpu.memory_space<vmem>>, vector<16xi32>,
      %get3A_137 = vector.shape_cast %get3A_136 : vector<16xi32> to vector<16xi32>
      %add3A_138 = arith.addi %min3A_130, %get3A_137 : vector<16xi32>
      %swap3A_139 = arith.constant 16 : index
      %swap3A_140 = tpu.vector_load %arg6[%swap3A_139] {strides = array<i32>} : memref<32xi32, #tpu.memory_space<vmem>>, vector<16xi32>,
      %swap3A_141 = vector.shape_cast %swap3A_140 : vector<16xi32> to vector<16xi32>
      %swap3A_142 = vector.shape_cast %add3A_138 : vector<16xi32> to vector<16xi32>
      tpu.vector_store %arg6[%swap3A_139], %swap3A_142 {strides = array<i32>} : memref<32xi32, #tpu.memory_space<vmem>>, vector<16xi32>,
      %get3A_143 = arith.constant 14 : index
      %get3A_144 = tpu.vector_load %arg6[%get3A_143] {strides = array<i32>} : memref<32xi32, #tpu.memory_space<vmem>>, vector<16xi32>,
      %get3A_145 = vector.shape_cast %get3A_144 : vector<16xi32> to vector<16xi32>
      %add3A_146 = arith.addi %add3A_138, %get3A_145 : vector<16xi32>
      %swap3A_147 = arith.constant 16 : index
      %swap3A_148 = tpu.vector_load %arg6[%swap3A_147] {strides = array<i32>} : memref<32xi32, #tpu.memory_space<vmem>>, vector<16xi32>,
      %swap3A_149 = vector.shape_cast %swap3A_148 : vector<16xi32> to vector<16xi32>
      %swap3A_150 = vector.shape_cast %add3A_146 : vector<16xi32> to vector<16xi32>
      tpu.vector_store %arg6[%swap3A_147], %swap3A_150 {strides = array<i32>} : memref<32xi32, #tpu.memory_space<vmem>>, vector<16xi32>,
      %get3A_151 = arith.constant 12 : index
      %get3A_152 = tpu.vector_load %arg6[%get3A_151] {strides = array<i32>} : memref<32xi32, #tpu.memory_space<vmem>>, vector<16xi32>,
      %get3A_153 = vector.shape_cast %get3A_152 : vector<16xi32> to vector<16xi32>
      %add3A_154 = arith.addi %add3A_146, %get3A_153 : vector<16xi32>
      %swap3A_155 = arith.constant 16 : index
      %swap3A_156 = tpu.vector_load %arg6[%swap3A_155] {strides = array<i32>} : memref<32xi32, #tpu.memory_space<vmem>>, vector<16xi32>,
      %swap3A_157 = vector.shape_cast %swap3A_156 : vector<16xi32> to vector<16xi32>
      %swap3A_158 = vector.shape_cast %add3A_154 : vector<16xi32> to vector<16xi32>
      tpu.vector_store %arg6[%swap3A_155], %swap3A_158 {strides = array<i32>} : memref<32xi32, #tpu.memory_space<vmem>>, vector<16xi32>,
      %get3A_159 = arith.constant 8 : index
      %get3A_160 = tpu.vector_load %arg6[%get3A_159] {strides = array<i32>} : memref<32xi32, #tpu.memory_space<vmem>>, vector<16xi32>,
      %get3A_161 = vector.shape_cast %get3A_160 : vector<16xi32> to vector<16xi32>
      %add3A_162 = arith.addi %add3A_154, %get3A_161 : vector<16xi32>
      %add3A_163 = arith.constant 16 : i32
      %add3A_164 = vector.broadcast %add3A_163 : i32 to vector<16xi32>
      %add3A_165 = arith.addi %iota3A, %add3A_164 : vector<16xi32>
      %mul3A_166 = arith.constant 3 : i32
      %mul3A_167 = vector.broadcast %mul3A_166 : i32 to vector<16xi32>
      %mul3A_168 = arith.muli %add3A_165, %mul3A_167 : vector<16xi32>
      %add3A_169 = vector.broadcast %add3A_124 : i32 to vector<16xi32>
      %add3A_170 = arith.addi %add3A_169, %add3A_162 : vector<16xi32>
      %sub3A_171 = arith.constant 1 : i32
      %sub3A_172 = vector.broadcast %sub3A_171 : i32 to vector<16xi32>
      %sub3A_173 = arith.subi %add3A_170, %sub3A_172 : vector<16xi32>
      %mul3A_174 = arith.constant 2 : i32
      %mul3A_175 = vector.broadcast %mul3A_174 : i32 to vector<16xi32>
      %mul3A_176 = arith.muli %sub3A_173, %mul3A_175 : vector<16xi32>
      %sub3A_177 = arith.constant 1 : i32
      %sub3A_178 = vector.broadcast %sub3A_177 : i32 to vector<16xi32>
      %sub3A_179 = arith.subi %sub3A_178, %min3A_130 : vector<16xi32>
      %add3A_180 = arith.constant 128 : i32
      %add3A_181 = vector.broadcast %add3A_180 : i32 to vector<16xi32>
      %add3A_182 = arith.addi %add3A_181, %iota3A : vector<16xi32>
      %swap3A_183 = arith.constant 16 : index
      %swap3A_184 = tpu.vector_load %arg7[%swap3A_183] {strides = array<i32>} : memref<128xi32, #tpu.memory_space<vmem>>, vector<16xi32>,
      %swap3A_185 = vector.shape_cast %swap3A_184 : vector<16xi32> to vector<16xi32>
      %swap3A_186 = vector.shape_cast %mul3A_168 : vector<16xi32> to vector<16xi32>
      tpu.vector_store %arg7[%swap3A_183], %swap3A_186 {strides = array<i32>} : memref<128xi32, #tpu.memory_space<vmem>>, vector<16xi32>,
      %add3A_187 = arith.constant 3 : i32
      %add3A_188 = vector.broadcast %add3A_187 : i32 to vector<16xi32>
      %add3A_189 = arith.addi %mul3A_168, %add3A_188 : vector<16xi32>
      %sub3A_190 = arith.subi %add3A_189, %get3A_127 : vector<16xi32>
      %swap3A_191 = arith.constant 80 : index
      %swap3A_192 = tpu.vector_load %arg7[%swap3A_191] {strides = array<i32>} : memref<128xi32, #tpu.memory_space<vmem>>, vector<16xi32>,
      %swap3A_193 = vector.shape_cast %swap3A_192 : vector<16xi32> to vector<16xi32>
      %swap3A_194 = vector.shape_cast %sub3A_190 : vector<16xi32> to vector<16xi32>
      tpu.vector_store %arg7[%swap3A_191], %swap3A_194 {strides = array<i32>} : memref<128xi32, #tpu.memory_space<vmem>>, vector<16xi32>,
      %mul3A_195 = arith.muli %mul3A_176, %min3A_130 : vector<16xi32>
      %mul3A_196 = arith.muli %sub3A_179, %add3A_182 : vector<16xi32>
      %add3A_197 = arith.addi %mul3A_195, %mul3A_196 : vector<16xi32>
      %swap3A_198 = arith.constant 16 : index
      %swap3A_199 = tpu.vector_load %arg8[%swap3A_198] {strides = array<i32>} : memref<128xi32, #tpu.memory_space<vmem>>, vector<16xi32>,
      %swap3A_200 = vector.shape_cast %swap3A_199 : vector<16xi32> to vector<16xi32>
      %swap3A_201 = vector.shape_cast %add3A_197 : vector<16xi32> to vector<16xi32>
      tpu.vector_store %arg8[%swap3A_198], %swap3A_201 {strides = array<i32>} : memref<128xi32, #tpu.memory_space<vmem>>, vector<16xi32>,
      %add3A_202 = arith.constant 1 : i32
      %add3A_203 = vector.broadcast %add3A_202 : i32 to vector<16xi32>
      %add3A_204 = arith.addi %mul3A_176, %add3A_203 : vector<16xi32>
      %mul3A_205 = arith.muli %add3A_204, %min3A_130 : vector<16xi32>
      %mul3A_206 = arith.muli %sub3A_179, %add3A_182 : vector<16xi32>
      %add3A_207 = arith.addi %mul3A_205, %mul3A_206 : vector<16xi32>
      %swap3A_208 = arith.constant 80 : index
      %swap3A_209 = tpu.vector_load %arg8[%swap3A_208] {strides = array<i32>} : memref<128xi32, #tpu.memory_space<vmem>>, vector<16xi32>,
      %swap3A_210 = vector.shape_cast %swap3A_209 : vector<16xi32> to vector<16xi32>
      %swap3A_211 = vector.shape_cast %add3A_207 : vector<16xi32> to vector<16xi32>
      tpu.vector_store %arg8[%swap3A_208], %swap3A_211 {strides = array<i32>} : memref<128xi32, #tpu.memory_space<vmem>>, vector<16xi32>,
      %slice3A_212 = vector.extract_strided_slice %add3A_162 {offsets = [15], sizes = [1], strides = [1]} : vector<16xi32> to vector<1xi32>
      %squeeze3A_213 = vector.extract %slice3A_212[0] : i32 from vector<1xi32>
      %add3A_214 = arith.addi %add3A_124, %squeeze3A_213 : i32
      %get3A_215 = arith.constant 32 : index
      %get3A_216 = tpu.vector_load %arg5[%get3A_215] {strides = array<i32>} : memref<64xi32, #tpu.memory_space<vmem>>, vector<16xi32>,
      %get3A_217 = vector.shape_cast %get3A_216 : vector<16xi32> to vector<16xi32>
      %min3A_218 = arith.constant 1 : i32
      %min3A_219 = vector.broadcast %min3A_218 : i32 to vector<16xi32>
      %min3A_220 = arith.minsi %get3A_217, %min3A_219 : vector<16xi32>
      %swap3A_221 = arith.constant 16 : index
      %swap3A_222 = tpu.vector_load %arg6[%swap3A_221] {strides = array<i32>} : memref<32xi32, #tpu.memory_space<vmem>>, vector<16xi32>,
      %swap3A_223 = vector.shape_cast %swap3A_222 : vector<16xi32> to vector<16xi32>
      %swap3A_224 = vector.shape_cast %min3A_220 : vector<16xi32> to vector<16xi32>
      tpu.vector_store %arg6[%swap3A_221], %swap3A_224 {strides = array<i32>} : memref<32xi32, #tpu.memory_space<vmem>>, vector<16xi32>,
      %get3A_225 = arith.constant 15 : index
      %get3A_226 = tpu.vector_load %arg6[%get3A_225] {strides = array<i32>} : memref<32xi32, #tpu.memory_space<vmem>>, vector<16xi32>,
      %get3A_227 = vector.shape_cast %get3A_226 : vector<16xi32> to vector<16xi32>
      %add3A_228 = arith.addi %min3A_220, %get3A_227 : vector<16xi32>
      %swap3A_229 = arith.constant 16 : index
      %swap3A_230 = tpu.vector_load %arg6[%swap3A_229] {strides = array<i32>} : memref<32xi32, #tpu.memory_space<vmem>>, vector<16xi32>,
      %swap3A_231 = vector.shape_cast %swap3A_230 : vector<16xi32> to vector<16xi32>
      %swap3A_232 = vector.shape_cast %add3A_228 : vector<16xi32> to vector<16xi32>
      tpu.vector_store %arg6[%swap3A_229], %swap3A_232 {strides = array<i32>} : memref<32xi32, #tpu.memory_space<vmem>>, vector<16xi32>,
      %get3A_233 = arith.constant 14 : index
      %get3A_234 = tpu.vector_load %arg6[%get3A_233] {strides = array<i32>} : memref<32xi32, #tpu.memory_space<vmem>>, vector<16xi32>,
      %get3A_235 = vector.shape_cast %get3A_234 : vector<16xi32> to vector<16xi32>
      %add3A_236 = arith.addi %add3A_228, %get3A_235 : vector<16xi32>
      %swap3A_237 = arith.constant 16 : index
      %swap3A_238 = tpu.vector_load %arg6[%swap3A_237] {strides = array<i32>} : memref<32xi32, #tpu.memory_space<vmem>>, vector<16xi32>,
      %swap3A_239 = vector.shape_cast %swap3A_238 : vector<16xi32> to vector<16xi32>
      %swap3A_240 = vector.shape_cast %add3A_236 : vector<16xi32> to vector<16xi32>
      tpu.vector_store %arg6[%swap3A_237], %swap3A_240 {strides = array<i32>} : memref<32xi32, #tpu.memory_space<vmem>>, vector<16xi32>,
      %get3A_241 = arith.constant 12 : index
      %get3A_242 = tpu.vector_load %arg6[%get3A_241] {strides = array<i32>} : memref<32xi32, #tpu.memory_space<vmem>>, vector<16xi32>,
      %get3A_243 = vector.shape_cast %get3A_242 : vector<16xi32> to vector<16xi32>
      %add3A_244 = arith.addi %add3A_236, %get3A_243 : vector<16xi32>
      %swap3A_245 = arith.constant 16 : index
      %swap3A_246 = tpu.vector_load %arg6[%swap3A_245] {strides = array<i32>} : memref<32xi32, #tpu.memory_space<vmem>>, vector<16xi32>,
      %swap3A_247 = vector.shape_cast %swap3A_246 : vector<16xi32> to vector<16xi32>
      %swap3A_248 = vector.shape_cast %add3A_244 : vector<16xi32> to vector<16xi32>
      tpu.vector_store %arg6[%swap3A_245], %swap3A_248 {strides = array<i32>} : memref<32xi32, #tpu.memory_space<vmem>>, vector<16xi32>,
      %get3A_249 = arith.constant 8 : index
      %get3A_250 = tpu.vector_load %arg6[%get3A_249] {strides = array<i32>} : memref<32xi32, #tpu.memory_space<vmem>>, vector<16xi32>,
      %get3A_251 = vector.shape_cast %get3A_250 : vector<16xi32> to vector<16xi32>
      %add3A_252 = arith.addi %add3A_244, %get3A_251 : vector<16xi32>
      %add3A_253 = arith.constant 32 : i32
      %add3A_254 = vector.broadcast %add3A_253 : i32 to vector<16xi32>
      %add3A_255 = arith.addi %iota3A, %add3A_254 : vector<16xi32>
      %mul3A_256 = arith.constant 3 : i32
      %mul3A_257 = vector.broadcast %mul3A_256 : i32 to vector<16xi32>
      %mul3A_258 = arith.muli %add3A_255, %mul3A_257 : vector<16xi32>
      %add3A_259 = vector.broadcast %add3A_214 : i32 to vector<16xi32>
      %add3A_260 = arith.addi %add3A_259, %add3A_252 : vector<16xi32>
      %sub3A_261 = arith.constant 1 : i32
      %sub3A_262 = vector.broadcast %sub3A_261 : i32 to vector<16xi32>
      %sub3A_263 = arith.subi %add3A_260, %sub3A_262 : vector<16xi32>
      %mul3A_264 = arith.constant 2 : i32
      %mul3A_265 = vector.broadcast %mul3A_264 : i32 to vector<16xi32>
      %mul3A_266 = arith.muli %sub3A_263, %mul3A_265 : vector<16xi32>
      %sub3A_267 = arith.constant 1 : i32
      %sub3A_268 = vector.broadcast %sub3A_267 : i32 to vector<16xi32>
      %sub3A_269 = arith.subi %sub3A_268, %min3A_220 : vector<16xi32>
      %add3A_270 = arith.constant 128 : i32
      %add3A_271 = vector.broadcast %add3A_270 : i32 to vector<16xi32>
      %add3A_272 = arith.addi %add3A_271, %iota3A : vector<16xi32>
      %swap3A_273 = arith.constant 32 : index
      %swap3A_274 = tpu.vector_load %arg7[%swap3A_273] {strides = array<i32>} : memref<128xi32, #tpu.memory_space<vmem>>, vector<16xi32>,
      %swap3A_275 = vector.shape_cast %swap3A_274 : vector<16xi32> to vector<16xi32>
      %swap3A_276 = vector.shape_cast %mul3A_258 : vector<16xi32> to vector<16xi32>
      tpu.vector_store %arg7[%swap3A_273], %swap3A_276 {strides = array<i32>} : memref<128xi32, #tpu.memory_space<vmem>>, vector<16xi32>,
      %add3A_277 = arith.constant 3 : i32
      %add3A_278 = vector.broadcast %add3A_277 : i32 to vector<16xi32>
      %add3A_279 = arith.addi %mul3A_258, %add3A_278 : vector<16xi32>
      %sub3A_280 = arith.subi %add3A_279, %get3A_217 : vector<16xi32>
      %swap3A_281 = arith.constant 96 : index
      %swap3A_282 = tpu.vector_load %arg7[%swap3A_281] {strides = array<i32>} : memref<128xi32, #tpu.memory_space<vmem>>, vector<16xi32>,
      %swap3A_283 = vector.shape_cast %swap3A_282 : vector<16xi32> to vector<16xi32>
      %swap3A_284 = vector.shape_cast %sub3A_280 : vector<16xi32> to vector<16xi32>
      tpu.vector_store %arg7[%swap3A_281], %swap3A_284 {strides = array<i32>} : memref<128xi32, #tpu.memory_space<vmem>>, vector<16xi32>,
      %mul3A_285 = arith.muli %mul3A_266, %min3A_220 : vector<16xi32>
      %mul3A_286 = arith.muli %sub3A_269, %add3A_272 : vector<16xi32>
      %add3A_287 = arith.addi %mul3A_285, %mul3A_286 : vector<16xi32>
      %swap3A_288 = arith.constant 32 : index
      %swap3A_289 = tpu.vector_load %arg8[%swap3A_288] {strides = array<i32>} : memref<128xi32, #tpu.memory_space<vmem>>, vector<16xi32>,
      %swap3A_290 = vector.shape_cast %swap3A_289 : vector<16xi32> to vector<16xi32>
      %swap3A_291 = vector.shape_cast %add3A_287 : vector<16xi32> to vector<16xi32>
      tpu.vector_store %arg8[%swap3A_288], %swap3A_291 {strides = array<i32>} : memref<128xi32, #tpu.memory_space<vmem>>, vector<16xi32>,
      %add3A_292 = arith.constant 1 : i32
      %add3A_293 = vector.broadcast %add3A_292 : i32 to vector<16xi32>
      %add3A_294 = arith.addi %mul3A_266, %add3A_293 : vector<16xi32>
      %mul3A_295 = arith.muli %add3A_294, %min3A_220 : vector<16xi32>
      %mul3A_296 = arith.muli %sub3A_269, %add3A_272 : vector<16xi32>
      %add3A_297 = arith.addi %mul3A_295, %mul3A_296 : vector<16xi32>
      %swap3A_298 = arith.constant 96 : index
      %swap3A_299 = tpu.vector_load %arg8[%swap3A_298] {strides = array<i32>} : memref<128xi32, #tpu.memory_space<vmem>>, vector<16xi32>,
      %swap3A_300 = vector.shape_cast %swap3A_299 : vector<16xi32> to vector<16xi32>
      %swap3A_301 = vector.shape_cast %add3A_297 : vector<16xi32> to vector<16xi32>
      tpu.vector_store %arg8[%swap3A_298], %swap3A_301 {strides = array<i32>} : memref<128xi32, #tpu.memory_space<vmem>>, vector<16xi32>,
      %slice3A_302 = vector.extract_strided_slice %add3A_252 {offsets = [15], sizes = [1], strides = [1]} : vector<16xi32> to vector<1xi32>
      %squeeze3A_303 = vector.extract %slice3A_302[0] : i32 from vector<1xi32>
      %add3A_304 = arith.addi %add3A_214, %squeeze3A_303 : i32
      %get3A_305 = arith.constant 48 : index
      %get3A_306 = tpu.vector_load %arg5[%get3A_305] {strides = array<i32>} : memref<64xi32, #tpu.memory_space<vmem>>, vector<16xi32>,
      %get3A_307 = vector.shape_cast %get3A_306 : vector<16xi32> to vector<16xi32>
      %min3A_308 = arith.constant 1 : i32
      %min3A_309 = vector.broadcast %min3A_308 : i32 to vector<16xi32>
      %min3A_310 = arith.minsi %get3A_307, %min3A_309 : vector<16xi32>
      %swap3A_311 = arith.constant 16 : index
      %swap3A_312 = tpu.vector_load %arg6[%swap3A_311] {strides = array<i32>} : memref<32xi32, #tpu.memory_space<vmem>>, vector<16xi32>,
      %swap3A_313 = vector.shape_cast %swap3A_312 : vector<16xi32> to vector<16xi32>
      %swap3A_314 = vector.shape_cast %min3A_310 : vector<16xi32> to vector<16xi32>
      tpu.vector_store %arg6[%swap3A_311], %swap3A_314 {strides = array<i32>} : memref<32xi32, #tpu.memory_space<vmem>>, vector<16xi32>,
      %get3A_315 = arith.constant 15 : index
      %get3A_316 = tpu.vector_load %arg6[%get3A_315] {strides = array<i32>} : memref<32xi32, #tpu.memory_space<vmem>>, vector<16xi32>,
      %get3A_317 = vector.shape_cast %get3A_316 : vector<16xi32> to vector<16xi32>
      %add3A_318 = arith.addi %min3A_310, %get3A_317 : vector<16xi32>
      %swap3A_319 = arith.constant 16 : index
      %swap3A_320 = tpu.vector_load %arg6[%swap3A_319] {strides = array<i32>} : memref<32xi32, #tpu.memory_space<vmem>>, vector<16xi32>,
      %swap3A_321 = vector.shape_cast %swap3A_320 : vector<16xi32> to vector<16xi32>
      %swap3A_322 = vector.shape_cast %add3A_318 : vector<16xi32> to vector<16xi32>
      tpu.vector_store %arg6[%swap3A_319], %swap3A_322 {strides = array<i32>} : memref<32xi32, #tpu.memory_space<vmem>>, vector<16xi32>,
      %get3A_323 = arith.constant 14 : index
      %get3A_324 = tpu.vector_load %arg6[%get3A_323] {strides = array<i32>} : memref<32xi32, #tpu.memory_space<vmem>>, vector<16xi32>,
      %get3A_325 = vector.shape_cast %get3A_324 : vector<16xi32> to vector<16xi32>
      %add3A_326 = arith.addi %add3A_318, %get3A_325 : vector<16xi32>
      %swap3A_327 = arith.constant 16 : index
      %swap3A_328 = tpu.vector_load %arg6[%swap3A_327] {strides = array<i32>} : memref<32xi32, #tpu.memory_space<vmem>>, vector<16xi32>,
      %swap3A_329 = vector.shape_cast %swap3A_328 : vector<16xi32> to vector<16xi32>
      %swap3A_330 = vector.shape_cast %add3A_326 : vector<16xi32> to vector<16xi32>
      tpu.vector_store %arg6[%swap3A_327], %swap3A_330 {strides = array<i32>} : memref<32xi32, #tpu.memory_space<vmem>>, vector<16xi32>,
      %get3A_331 = arith.constant 12 : index
      %get3A_332 = tpu.vector_load %arg6[%get3A_331] {strides = array<i32>} : memref<32xi32, #tpu.memory_space<vmem>>, vector<16xi32>,
      %get3A_333 = vector.shape_cast %get3A_332 : vector<16xi32> to vector<16xi32>
      %add3A_334 = arith.addi %add3A_326, %get3A_333 : vector<16xi32>
      %swap3A_335 = arith.constant 16 : index
      %swap3A_336 = tpu.vector_load %arg6[%swap3A_335] {strides = array<i32>} : memref<32xi32, #tpu.memory_space<vmem>>, vector<16xi32>,
      %swap3A_337 = vector.shape_cast %swap3A_336 : vector<16xi32> to vector<16xi32>
      %swap3A_338 = vector.shape_cast %add3A_334 : vector<16xi32> to vector<16xi32>
      tpu.vector_store %arg6[%swap3A_335], %swap3A_338 {strides = array<i32>} : memref<32xi32, #tpu.memory_space<vmem>>, vector<16xi32>,
      %get3A_339 = arith.constant 8 : index
      %get3A_340 = tpu.vector_load %arg6[%get3A_339] {strides = array<i32>} : memref<32xi32, #tpu.memory_space<vmem>>, vector<16xi32>,
      %get3A_341 = vector.shape_cast %get3A_340 : vector<16xi32> to vector<16xi32>
      %add3A_342 = arith.addi %add3A_334, %get3A_341 : vector<16xi32>
      %add3A_343 = arith.constant 48 : i32
      %add3A_344 = vector.broadcast %add3A_343 : i32 to vector<16xi32>
      %add3A_345 = arith.addi %iota3A, %add3A_344 : vector<16xi32>
      %mul3A_346 = arith.constant 3 : i32
      %mul3A_347 = vector.broadcast %mul3A_346 : i32 to vector<16xi32>
      %mul3A_348 = arith.muli %add3A_345, %mul3A_347 : vector<16xi32>
      %add3A_349 = vector.broadcast %add3A_304 : i32 to vector<16xi32>
      %add3A_350 = arith.addi %add3A_349, %add3A_342 : vector<16xi32>
      %sub3A_351 = arith.constant 1 : i32
      %sub3A_352 = vector.broadcast %sub3A_351 : i32 to vector<16xi32>
      %sub3A_353 = arith.subi %add3A_350, %sub3A_352 : vector<16xi32>
      %mul3A_354 = arith.constant 2 : i32
      %mul3A_355 = vector.broadcast %mul3A_354 : i32 to vector<16xi32>
      %mul3A_356 = arith.muli %sub3A_353, %mul3A_355 : vector<16xi32>
      %sub3A_357 = arith.constant 1 : i32
      %sub3A_358 = vector.broadcast %sub3A_357 : i32 to vector<16xi32>
      %sub3A_359 = arith.subi %sub3A_358, %min3A_310 : vector<16xi32>
      %add3A_360 = arith.constant 128 : i32
      %add3A_361 = vector.broadcast %add3A_360 : i32 to vector<16xi32>
      %add3A_362 = arith.addi %add3A_361, %iota3A : vector<16xi32>
      %swap3A_363 = arith.constant 48 : index
      %swap3A_364 = tpu.vector_load %arg7[%swap3A_363] {strides = array<i32>} : memref<128xi32, #tpu.memory_space<vmem>>, vector<16xi32>,
      %swap3A_365 = vector.shape_cast %swap3A_364 : vector<16xi32> to vector<16xi32>
      %swap3A_366 = vector.shape_cast %mul3A_348 : vector<16xi32> to vector<16xi32>
      tpu.vector_store %arg7[%swap3A_363], %swap3A_366 {strides = array<i32>} : memref<128xi32, #tpu.memory_space<vmem>>, vector<16xi32>,
      %add3A_367 = arith.constant 3 : i32
      %add3A_368 = vector.broadcast %add3A_367 : i32 to vector<16xi32>
      %add3A_369 = arith.addi %mul3A_348, %add3A_368 : vector<16xi32>
      %sub3A_370 = arith.subi %add3A_369, %get3A_307 : vector<16xi32>
      %swap3A_371 = arith.constant 112 : index
      %swap3A_372 = tpu.vector_load %arg7[%swap3A_371] {strides = array<i32>} : memref<128xi32, #tpu.memory_space<vmem>>, vector<16xi32>,
      %swap3A_373 = vector.shape_cast %swap3A_372 : vector<16xi32> to vector<16xi32>
      %swap3A_374 = vector.shape_cast %sub3A_370 : vector<16xi32> to vector<16xi32>
      tpu.vector_store %arg7[%swap3A_371], %swap3A_374 {strides = array<i32>} : memref<128xi32, #tpu.memory_space<vmem>>, vector<16xi32>,
      %mul3A_375 = arith.muli %mul3A_356, %min3A_310 : vector<16xi32>
      %mul3A_376 = arith.muli %sub3A_359, %add3A_362 : vector<16xi32>
      %add3A_377 = arith.addi %mul3A_375, %mul3A_376 : vector<16xi32>
      %swap3A_378 = arith.constant 48 : index
      %swap3A_379 = tpu.vector_load %arg8[%swap3A_378] {strides = array<i32>} : memref<128xi32, #tpu.memory_space<vmem>>, vector<16xi32>,
      %swap3A_380 = vector.shape_cast %swap3A_379 : vector<16xi32> to vector<16xi32>
      %swap3A_381 = vector.shape_cast %add3A_377 : vector<16xi32> to vector<16xi32>
      tpu.vector_store %arg8[%swap3A_378], %swap3A_381 {strides = array<i32>} : memref<128xi32, #tpu.memory_space<vmem>>, vector<16xi32>,
      %add3A_382 = arith.constant 1 : i32
      %add3A_383 = vector.broadcast %add3A_382 : i32 to vector<16xi32>
      %add3A_384 = arith.addi %mul3A_356, %add3A_383 : vector<16xi32>
      %mul3A_385 = arith.muli %add3A_384, %min3A_310 : vector<16xi32>
      %mul3A_386 = arith.muli %sub3A_359, %add3A_362 : vector<16xi32>
      %add3A_387 = arith.addi %mul3A_385, %mul3A_386 : vector<16xi32>
      %swap3A_388 = arith.constant 112 : index
      %swap3A_389 = tpu.vector_load %arg8[%swap3A_388] {strides = array<i32>} : memref<128xi32, #tpu.memory_space<vmem>>, vector<16xi32>,
      %swap3A_390 = vector.shape_cast %swap3A_389 : vector<16xi32> to vector<16xi32>
      %swap3A_391 = vector.shape_cast %add3A_387 : vector<16xi32> to vector<16xi32>
      tpu.vector_store %arg8[%swap3A_388], %swap3A_391 {strides = array<i32>} : memref<128xi32, #tpu.memory_space<vmem>>, vector<16xi32>,
      %slice3A_392 = vector.extract_strided_slice %add3A_342 {offsets = [15], sizes = [1], strides = [1]} : vector<16xi32> to vector<1xi32>
      %squeeze3A_393 = vector.extract %slice3A_392[0] : i32 from vector<1xi32>
      %add3A_394 = arith.addi %add3A_304, %squeeze3A_393 : i32
      %mul3A_395 = arith.constant 2 : i32
      %mul3A_396 = arith.muli %mul3A_395, %add3A_394 : i32
      %broadcast_in_dim3A_397 = vector.broadcast %mul3A_396 : i32 to vector<16xi32>
      %swap3A_398 = arith.constant 0 : index
      %swap3A_399 = tpu.vector_load %arg10[%swap3A_398] {strides = array<i32>} : memref<16xi32, #tpu.memory_space<vmem>>, vector<16xi32>,
      %swap3A_400 = vector.shape_cast %swap3A_399 : vector<16xi32> to vector<16xi32>
      %swap3A_401 = vector.shape_cast %broadcast_in_dim3A_397 : vector<16xi32> to vector<16xi32>
      tpu.vector_store %arg10[%swap3A_398], %swap3A_401 {strides = array<i32>} : memref<16xi32, #tpu.memory_space<vmem>>, vector<16xi32>,
      "tpu.region"() ({
        %run_scoped3A = tpu.sem_alloc : memref<!tpu.dma_semaphore, #tpu.memory_space<semaphore_mem>>
        %dma_start3A = arith.constant 0 : i32
        %dma_start3A_402 = tpu.memref_slice %arg3[%dma_start3A] : memref<144xi32, #tpu.memory_space<hbm>> -> memref<128xi32, #tpu.memory_space<hbm>>
        %dma_start3A_403 = arith.constant 0 : i32
        %dma_start3A_404 = tpu.memref_slice %arg3[%dma_start3A_403] : memref<144xi32, #tpu.memory_space<hbm>> -> memref<128xi32, #tpu.memory_space<hbm>>
        tpu.enqueue_dma source(%arg9 : memref<128xi32, #tpu.memory_space<vmem>>) target(%dma_start3A_404 : memref<128xi32, #tpu.memory_space<hbm>>) target_semaphore(%run_scoped3A : memref<!tpu.dma_semaphore, #tpu.memory_space<semaphore_mem>>)
        %dma_wait3A = arith.constant 0 : i32
        %dma_wait3A_405 = tpu.memref_slice %arg3[%dma_wait3A] : memref<144xi32, #tpu.memory_space<hbm>> -> memref<128xi32, #tpu.memory_space<hbm>>
        %dma_wait3A_406 = arith.constant 0 : i32
        %dma_wait3A_407 = tpu.memref_slice %arg3[%dma_wait3A_406] : memref<144xi32, #tpu.memory_space<hbm>> -> memref<128xi32, #tpu.memory_space<hbm>>
        tpu.wait_dma2 semaphore(%run_scoped3A : memref<!tpu.dma_semaphore, #tpu.memory_space<semaphore_mem>>) src(%arg9 : memref<128xi32, #tpu.memory_space<vmem>>) dst(%dma_wait3A_407 : memref<128xi32, #tpu.memory_space<hbm>>)
        tpu.yield
      }) : () -> ()
      "tpu.region"() ({
        %run_scoped3A = tpu.sem_alloc : memref<!tpu.dma_semaphore, #tpu.memory_space<semaphore_mem>>
        %dma_start3A = arith.constant 0 : i32
        %dma_start3A_402 = tpu.memref_slice %arg3[%dma_start3A] : memref<144xi32, #tpu.memory_space<hbm>> -> memref<144xi32, #tpu.memory_space<hbm>>
        tpu.enqueue_indirect_dma source(%arg7 : memref<128xi32, #tpu.memory_space<vmem>>) target(%dma_start3A_402 : memref<144xi32, #tpu.memory_space<hbm>>) offsets(%arg8 : memref<128xi32, #tpu.memory_space<vmem>>) semaphore(%run_scoped3A : memref<!tpu.dma_semaphore, #tpu.memory_space<semaphore_mem>>)
        %dma_wait3A = arith.constant 0 : i32
        %dma_wait3A_403 = tpu.memref_slice %arg3[%dma_wait3A] : memref<144xi32, #tpu.memory_space<hbm>> -> memref<144xi32, #tpu.memory_space<hbm>>
        tpu.wait_indirect_dma semaphore(%run_scoped3A : memref<!tpu.dma_semaphore, #tpu.memory_space<semaphore_mem>>) src(%arg7 : memref<128xi32, #tpu.memory_space<vmem>>) dst(%dma_wait3A_403 : memref<144xi32, #tpu.memory_space<hbm>>)
        tpu.yield
      }) : () -> ()
      "tpu.region"() ({
        %run_scoped3A = tpu.sem_alloc : memref<!tpu.dma_semaphore, #tpu.memory_space<semaphore_mem>>
        tpu.enqueue_dma source(%arg10 : memref<16xi32, #tpu.memory_space<vmem>>) target(%arg4 : memref<16xi32, #tpu.memory_space<hbm>>) target_semaphore(%run_scoped3A : memref<!tpu.dma_semaphore, #tpu.memory_space<semaphore_mem>>)
        tpu.wait_dma2 semaphore(%run_scoped3A : memref<!tpu.dma_semaphore, #tpu.memory_space<semaphore_mem>>) src(%arg10 : memref<16xi32, #tpu.memory_space<vmem>>) dst(%arg4 : memref<16xi32, #tpu.memory_space<hbm>>)
        tpu.yield
      }) : () -> ()
    } else {
    }
    return
  }
}

module attributes {stable_mosaic.version = 14 : i64} {
  func.func @_tc_body(%arg0: i32, %arg1: memref<128xi32, #tpu.memory_space<smem>>, %arg2: memref<1xi32, #tpu.memory_space<smem>>, %arg3: memref<1x480x480xf32, #tpu.memory_space<vmem>>, %arg4: memref<1x480x480xf32, #tpu.memory_space<vmem>>, %arg5: memref<1x480x480xf32, #tpu.memory_space<vmem>>, %arg6: memref<1x480x480xf32, #tpu.memory_space<vmem>>, %arg7: memref<1x480x480xf32, #tpu.memory_space<vmem>>, %arg8: memref<1x480x480xf32, #tpu.memory_space<vmem>>, %arg9: memref<1x480x480xf32, #tpu.memory_space<vmem>>, %arg10: memref<1x480x480xf32, #tpu.memory_space<vmem>>, %arg11: memref<1x480x480xf32, #tpu.memory_space<vmem>>, %arg12: memref<1x480x480xf32, #tpu.memory_space<vmem>>, %arg13: memref<1x480x480xf32, #tpu.memory_space<vmem>>, %arg14: memref<1x480x480xf32, #tpu.memory_space<vmem>>, %arg15: memref<1x480x480xf32, #tpu.memory_space<vmem>>, %arg16: memref<1x480x480xf32, #tpu.memory_space<vmem>>, %arg17: memref<1x480x480xf32, #tpu.memory_space<vmem>>, %arg18: memref<1x480x480xf32, #tpu.memory_space<vmem>>, %arg19: memref<1x1xf32, #tpu.memory_space<vmem>>, %arg20: memref<8x480xf32, #tpu.memory_space<vmem>>) attributes {dimension_semantics = [#tpu.dimension_semantics<arbitrary>], iteration_bounds = array<i64: 8>, scalar_prefetch = 2 : i64, scratch_operands = 1 : i64, tpu.core_type = #tpu.core_type<tc>, window_params = [{transform_indices = @transform_0, window_bounds = array<i64: 1, 480, 480>}, {transform_indices = @transform_1, window_bounds = array<i64: 1, 480, 480>}, {transform_indices = @transform_2, window_bounds = array<i64: 1, 480, 480>}, {transform_indices = @transform_3, window_bounds = array<i64: 1, 480, 480>}, {transform_indices = @transform_4, window_bounds = array<i64: 1, 480, 480>}, {transform_indices = @transform_5, window_bounds = array<i64: 1, 480, 480>}, {transform_indices = @transform_6, window_bounds = array<i64: 1, 480, 480>}, {transform_indices = @transform_7, window_bounds = array<i64: 1, 480, 480>}, {transform_indices = @transform_8, window_bounds = array<i64: 1, 480, 480>}, {transform_indices = @transform_9, window_bounds = array<i64: 1, 480, 480>}, {transform_indices = @transform_10, window_bounds = array<i64: 1, 480, 480>}, {transform_indices = @transform_11, window_bounds = array<i64: 1, 480, 480>}, {transform_indices = @transform_12, window_bounds = array<i64: 1, 480, 480>}, {transform_indices = @transform_13, window_bounds = array<i64: 1, 480, 480>}, {transform_indices = @transform_14, window_bounds = array<i64: 1, 480, 480>}, {transform_indices = @transform_15, window_bounds = array<i64: 1, 480, 480>}, {pipeline_mode = #tpu.pipeline_mode<synchronous>, transform_indices = @transform_16, window_bounds = array<i64: 1, 1>}]} {
    %get3A = arith.constant 0 : index
    %get3A_0 = memref.load %arg2[%get3A] : memref<1xi32, #tpu.memory_space<smem>>
    %eq3A = arith.constant 0 : i32
    %eq3A_1 = arith.cmpi eq, %arg0, %eq3A : i32
    %convert_element_type3A = arith.extui %eq3A_1 : i1 to i32
    %cond3A = arith.constant 0 : i32
    %cond3A_2 = arith.cmpi ne, %convert_element_type3A, %cond3A : i32
    scf.if %cond3A_2 {
      %broadcast_in_dim3A = arith.constant 0.000000e+00 : f32
      %broadcast_in_dim3A_133 = vector.broadcast %broadcast_in_dim3A : f32 to vector<8x480xf32>
      %swap3A = arith.constant 0 : index
      %swap3A_134 = arith.constant 0 : index
      %swap3A_135 = vector.load %arg20[%swap3A, %swap3A_134] : memref<8x480xf32, #tpu.memory_space<vmem>>, vector<8x480xf32>
      tpu.vector_store %arg20[%swap3A, %swap3A_134], %broadcast_in_dim3A_133 {strides = array<i32>} : memref<8x480xf32, #tpu.memory_space<vmem>>, vector<8x480xf32>,
    } else {
    }
    %mul3A = arith.constant 16 : i32
    %mul3A_3 = arith.muli %arg0, %mul3A : i32
    %add3A = arith.constant 0 : i32
    %add3A_4 = arith.addi %mul3A_3, %add3A : i32
    %lt3A = arith.cmpi slt, %add3A_4, %get3A_0 : i32
    %convert_element_type3A_5 = arith.extui %lt3A : i1 to i32
    %cond3A_6 = arith.constant 0 : i32
    %cond3A_7 = arith.cmpi ne, %convert_element_type3A_5, %cond3A_6 : i32
    scf.if %cond3A_7 {
      %get3A_133 = arith.constant 0 : index
      %get3A_134 = arith.constant 0 : index
      %get3A_135 = arith.constant 0 : index
      %get3A_136 = vector.load %arg3[%get3A_133, %get3A_134, %get3A_135] : memref<1x480x480xf32, #tpu.memory_space<vmem>>, vector<1x480x480xf32>
      %get3A_137 = vector.shape_cast %get3A_136 : vector<1x480x480xf32> to vector<480x480xf32>
      %logistic3A = arith.negf %get3A_137 : vector<480x480xf32>
      %logistic3A_138 = math.exp %logistic3A : vector<480x480xf32>
      %logistic3A_139 = arith.constant 1.000000e+00 : f32
      %logistic3A_140 = vector.broadcast %logistic3A_139 : f32 to vector<480x480xf32>
      %logistic3A_141 = arith.addf %logistic3A_140, %logistic3A_138 : vector<480x480xf32>
      %logistic3A_142 = arith.divf %logistic3A_140, %logistic3A_141 : vector<480x480xf32>
      %get3A_143 = arith.constant 0 : index
      %get3A_144 = arith.constant 0 : index
      %get3A_145 = vector.load %arg20[%get3A_143, %get3A_144] : memref<8x480xf32, #tpu.memory_space<vmem>>, vector<8x480xf32>
      %reshape3A = vector.shape_cast %logistic3A_142 : vector<480x480xf32> to vector<60x8x480xf32>
      %reduce_sum3A = arith.constant dense<0.000000e+00> : vector<8x480xf32>
      %reduce_sum3A_146 = vector.multi_reduction <add>, %reshape3A, %reduce_sum3A [0] : vector<60x8x480xf32> to vector<8x480xf32>
      %add3A_147 = arith.addf %get3A_145, %reduce_sum3A_146 : vector<8x480xf32>
      %swap3A = arith.constant 0 : index
      %swap3A_148 = arith.constant 0 : index
      %swap3A_149 = vector.load %arg20[%swap3A, %swap3A_148] : memref<8x480xf32, #tpu.memory_space<vmem>>, vector<8x480xf32>
      tpu.vector_store %arg20[%swap3A, %swap3A_148], %add3A_147 {strides = array<i32>} : memref<8x480xf32, #tpu.memory_space<vmem>>, vector<8x480xf32>,
    } else {
    }
    %mul3A_8 = arith.constant 16 : i32
    %mul3A_9 = arith.muli %arg0, %mul3A_8 : i32
    %add3A_10 = arith.constant 1 : i32
    %add3A_11 = arith.addi %mul3A_9, %add3A_10 : i32
    %lt3A_12 = arith.cmpi slt, %add3A_11, %get3A_0 : i32
    %convert_element_type3A_13 = arith.extui %lt3A_12 : i1 to i32
    %cond3A_14 = arith.constant 0 : i32
    %cond3A_15 = arith.cmpi ne, %convert_element_type3A_13, %cond3A_14 : i32
    scf.if %cond3A_15 {
      %get3A_133 = arith.constant 0 : index
      %get3A_134 = arith.constant 0 : index
      %get3A_135 = arith.constant 0 : index
      %get3A_136 = vector.load %arg4[%get3A_133, %get3A_134, %get3A_135] : memref<1x480x480xf32, #tpu.memory_space<vmem>>, vector<1x480x480xf32>
      %get3A_137 = vector.shape_cast %get3A_136 : vector<1x480x480xf32> to vector<480x480xf32>
      %logistic3A = arith.negf %get3A_137 : vector<480x480xf32>
      %logistic3A_138 = math.exp %logistic3A : vector<480x480xf32>
      %logistic3A_139 = arith.constant 1.000000e+00 : f32
      %logistic3A_140 = vector.broadcast %logistic3A_139 : f32 to vector<480x480xf32>
      %logistic3A_141 = arith.addf %logistic3A_140, %logistic3A_138 : vector<480x480xf32>
      %logistic3A_142 = arith.divf %logistic3A_140, %logistic3A_141 : vector<480x480xf32>
      %get3A_143 = arith.constant 0 : index
      %get3A_144 = arith.constant 0 : index
      %get3A_145 = vector.load %arg20[%get3A_143, %get3A_144] : memref<8x480xf32, #tpu.memory_space<vmem>>, vector<8x480xf32>
      %reshape3A = vector.shape_cast %logistic3A_142 : vector<480x480xf32> to vector<60x8x480xf32>
      %reduce_sum3A = arith.constant dense<0.000000e+00> : vector<8x480xf32>
      %reduce_sum3A_146 = vector.multi_reduction <add>, %reshape3A, %reduce_sum3A [0] : vector<60x8x480xf32> to vector<8x480xf32>
      %add3A_147 = arith.addf %get3A_145, %reduce_sum3A_146 : vector<8x480xf32>
      %swap3A = arith.constant 0 : index
      %swap3A_148 = arith.constant 0 : index
      %swap3A_149 = vector.load %arg20[%swap3A, %swap3A_148] : memref<8x480xf32, #tpu.memory_space<vmem>>, vector<8x480xf32>
      tpu.vector_store %arg20[%swap3A, %swap3A_148], %add3A_147 {strides = array<i32>} : memref<8x480xf32, #tpu.memory_space<vmem>>, vector<8x480xf32>,
    } else {
    }
    %mul3A_16 = arith.constant 16 : i32
    %mul3A_17 = arith.muli %arg0, %mul3A_16 : i32
    %add3A_18 = arith.constant 2 : i32
    %add3A_19 = arith.addi %mul3A_17, %add3A_18 : i32
    %lt3A_20 = arith.cmpi slt, %add3A_19, %get3A_0 : i32
    %convert_element_type3A_21 = arith.extui %lt3A_20 : i1 to i32
    %cond3A_22 = arith.constant 0 : i32
    %cond3A_23 = arith.cmpi ne, %convert_element_type3A_21, %cond3A_22 : i32
    scf.if %cond3A_23 {
      %get3A_133 = arith.constant 0 : index
      %get3A_134 = arith.constant 0 : index
      %get3A_135 = arith.constant 0 : index
      %get3A_136 = vector.load %arg5[%get3A_133, %get3A_134, %get3A_135] : memref<1x480x480xf32, #tpu.memory_space<vmem>>, vector<1x480x480xf32>
      %get3A_137 = vector.shape_cast %get3A_136 : vector<1x480x480xf32> to vector<480x480xf32>
      %logistic3A = arith.negf %get3A_137 : vector<480x480xf32>
      %logistic3A_138 = math.exp %logistic3A : vector<480x480xf32>
      %logistic3A_139 = arith.constant 1.000000e+00 : f32
      %logistic3A_140 = vector.broadcast %logistic3A_139 : f32 to vector<480x480xf32>
      %logistic3A_141 = arith.addf %logistic3A_140, %logistic3A_138 : vector<480x480xf32>
      %logistic3A_142 = arith.divf %logistic3A_140, %logistic3A_141 : vector<480x480xf32>
      %get3A_143 = arith.constant 0 : index
      %get3A_144 = arith.constant 0 : index
      %get3A_145 = vector.load %arg20[%get3A_143, %get3A_144] : memref<8x480xf32, #tpu.memory_space<vmem>>, vector<8x480xf32>
      %reshape3A = vector.shape_cast %logistic3A_142 : vector<480x480xf32> to vector<60x8x480xf32>
      %reduce_sum3A = arith.constant dense<0.000000e+00> : vector<8x480xf32>
      %reduce_sum3A_146 = vector.multi_reduction <add>, %reshape3A, %reduce_sum3A [0] : vector<60x8x480xf32> to vector<8x480xf32>
      %add3A_147 = arith.addf %get3A_145, %reduce_sum3A_146 : vector<8x480xf32>
      %swap3A = arith.constant 0 : index
      %swap3A_148 = arith.constant 0 : index
      %swap3A_149 = vector.load %arg20[%swap3A, %swap3A_148] : memref<8x480xf32, #tpu.memory_space<vmem>>, vector<8x480xf32>
      tpu.vector_store %arg20[%swap3A, %swap3A_148], %add3A_147 {strides = array<i32>} : memref<8x480xf32, #tpu.memory_space<vmem>>, vector<8x480xf32>,
    } else {
    }
    %mul3A_24 = arith.constant 16 : i32
    %mul3A_25 = arith.muli %arg0, %mul3A_24 : i32
    %add3A_26 = arith.constant 3 : i32
    %add3A_27 = arith.addi %mul3A_25, %add3A_26 : i32
    %lt3A_28 = arith.cmpi slt, %add3A_27, %get3A_0 : i32
    %convert_element_type3A_29 = arith.extui %lt3A_28 : i1 to i32
    %cond3A_30 = arith.constant 0 : i32
    %cond3A_31 = arith.cmpi ne, %convert_element_type3A_29, %cond3A_30 : i32
    scf.if %cond3A_31 {
      %get3A_133 = arith.constant 0 : index
      %get3A_134 = arith.constant 0 : index
      %get3A_135 = arith.constant 0 : index
      %get3A_136 = vector.load %arg6[%get3A_133, %get3A_134, %get3A_135] : memref<1x480x480xf32, #tpu.memory_space<vmem>>, vector<1x480x480xf32>
      %get3A_137 = vector.shape_cast %get3A_136 : vector<1x480x480xf32> to vector<480x480xf32>
      %logistic3A = arith.negf %get3A_137 : vector<480x480xf32>
      %logistic3A_138 = math.exp %logistic3A : vector<480x480xf32>
      %logistic3A_139 = arith.constant 1.000000e+00 : f32
      %logistic3A_140 = vector.broadcast %logistic3A_139 : f32 to vector<480x480xf32>
      %logistic3A_141 = arith.addf %logistic3A_140, %logistic3A_138 : vector<480x480xf32>
      %logistic3A_142 = arith.divf %logistic3A_140, %logistic3A_141 : vector<480x480xf32>
      %get3A_143 = arith.constant 0 : index
      %get3A_144 = arith.constant 0 : index
      %get3A_145 = vector.load %arg20[%get3A_143, %get3A_144] : memref<8x480xf32, #tpu.memory_space<vmem>>, vector<8x480xf32>
      %reshape3A = vector.shape_cast %logistic3A_142 : vector<480x480xf32> to vector<60x8x480xf32>
      %reduce_sum3A = arith.constant dense<0.000000e+00> : vector<8x480xf32>
      %reduce_sum3A_146 = vector.multi_reduction <add>, %reshape3A, %reduce_sum3A [0] : vector<60x8x480xf32> to vector<8x480xf32>
      %add3A_147 = arith.addf %get3A_145, %reduce_sum3A_146 : vector<8x480xf32>
      %swap3A = arith.constant 0 : index
      %swap3A_148 = arith.constant 0 : index
      %swap3A_149 = vector.load %arg20[%swap3A, %swap3A_148] : memref<8x480xf32, #tpu.memory_space<vmem>>, vector<8x480xf32>
      tpu.vector_store %arg20[%swap3A, %swap3A_148], %add3A_147 {strides = array<i32>} : memref<8x480xf32, #tpu.memory_space<vmem>>, vector<8x480xf32>,
    } else {
    }
    %mul3A_32 = arith.constant 16 : i32
    %mul3A_33 = arith.muli %arg0, %mul3A_32 : i32
    %add3A_34 = arith.constant 4 : i32
    %add3A_35 = arith.addi %mul3A_33, %add3A_34 : i32
    %lt3A_36 = arith.cmpi slt, %add3A_35, %get3A_0 : i32
    %convert_element_type3A_37 = arith.extui %lt3A_36 : i1 to i32
    %cond3A_38 = arith.constant 0 : i32
    %cond3A_39 = arith.cmpi ne, %convert_element_type3A_37, %cond3A_38 : i32
    scf.if %cond3A_39 {
      %get3A_133 = arith.constant 0 : index
      %get3A_134 = arith.constant 0 : index
      %get3A_135 = arith.constant 0 : index
      %get3A_136 = vector.load %arg7[%get3A_133, %get3A_134, %get3A_135] : memref<1x480x480xf32, #tpu.memory_space<vmem>>, vector<1x480x480xf32>
      %get3A_137 = vector.shape_cast %get3A_136 : vector<1x480x480xf32> to vector<480x480xf32>
      %logistic3A = arith.negf %get3A_137 : vector<480x480xf32>
      %logistic3A_138 = math.exp %logistic3A : vector<480x480xf32>
      %logistic3A_139 = arith.constant 1.000000e+00 : f32
      %logistic3A_140 = vector.broadcast %logistic3A_139 : f32 to vector<480x480xf32>
      %logistic3A_141 = arith.addf %logistic3A_140, %logistic3A_138 : vector<480x480xf32>
      %logistic3A_142 = arith.divf %logistic3A_140, %logistic3A_141 : vector<480x480xf32>
      %get3A_143 = arith.constant 0 : index
      %get3A_144 = arith.constant 0 : index
      %get3A_145 = vector.load %arg20[%get3A_143, %get3A_144] : memref<8x480xf32, #tpu.memory_space<vmem>>, vector<8x480xf32>
      %reshape3A = vector.shape_cast %logistic3A_142 : vector<480x480xf32> to vector<60x8x480xf32>
      %reduce_sum3A = arith.constant dense<0.000000e+00> : vector<8x480xf32>
      %reduce_sum3A_146 = vector.multi_reduction <add>, %reshape3A, %reduce_sum3A [0] : vector<60x8x480xf32> to vector<8x480xf32>
      %add3A_147 = arith.addf %get3A_145, %reduce_sum3A_146 : vector<8x480xf32>
      %swap3A = arith.constant 0 : index
      %swap3A_148 = arith.constant 0 : index
      %swap3A_149 = vector.load %arg20[%swap3A, %swap3A_148] : memref<8x480xf32, #tpu.memory_space<vmem>>, vector<8x480xf32>
      tpu.vector_store %arg20[%swap3A, %swap3A_148], %add3A_147 {strides = array<i32>} : memref<8x480xf32, #tpu.memory_space<vmem>>, vector<8x480xf32>,
    } else {
    }
    %mul3A_40 = arith.constant 16 : i32
    %mul3A_41 = arith.muli %arg0, %mul3A_40 : i32
    %add3A_42 = arith.constant 5 : i32
    %add3A_43 = arith.addi %mul3A_41, %add3A_42 : i32
    %lt3A_44 = arith.cmpi slt, %add3A_43, %get3A_0 : i32
    %convert_element_type3A_45 = arith.extui %lt3A_44 : i1 to i32
    %cond3A_46 = arith.constant 0 : i32
    %cond3A_47 = arith.cmpi ne, %convert_element_type3A_45, %cond3A_46 : i32
    scf.if %cond3A_47 {
      %get3A_133 = arith.constant 0 : index
      %get3A_134 = arith.constant 0 : index
      %get3A_135 = arith.constant 0 : index
      %get3A_136 = vector.load %arg8[%get3A_133, %get3A_134, %get3A_135] : memref<1x480x480xf32, #tpu.memory_space<vmem>>, vector<1x480x480xf32>
      %get3A_137 = vector.shape_cast %get3A_136 : vector<1x480x480xf32> to vector<480x480xf32>
      %logistic3A = arith.negf %get3A_137 : vector<480x480xf32>
      %logistic3A_138 = math.exp %logistic3A : vector<480x480xf32>
      %logistic3A_139 = arith.constant 1.000000e+00 : f32
      %logistic3A_140 = vector.broadcast %logistic3A_139 : f32 to vector<480x480xf32>
      %logistic3A_141 = arith.addf %logistic3A_140, %logistic3A_138 : vector<480x480xf32>
      %logistic3A_142 = arith.divf %logistic3A_140, %logistic3A_141 : vector<480x480xf32>
      %get3A_143 = arith.constant 0 : index
      %get3A_144 = arith.constant 0 : index
      %get3A_145 = vector.load %arg20[%get3A_143, %get3A_144] : memref<8x480xf32, #tpu.memory_space<vmem>>, vector<8x480xf32>
      %reshape3A = vector.shape_cast %logistic3A_142 : vector<480x480xf32> to vector<60x8x480xf32>
      %reduce_sum3A = arith.constant dense<0.000000e+00> : vector<8x480xf32>
      %reduce_sum3A_146 = vector.multi_reduction <add>, %reshape3A, %reduce_sum3A [0] : vector<60x8x480xf32> to vector<8x480xf32>
      %add3A_147 = arith.addf %get3A_145, %reduce_sum3A_146 : vector<8x480xf32>
      %swap3A = arith.constant 0 : index
      %swap3A_148 = arith.constant 0 : index
      %swap3A_149 = vector.load %arg20[%swap3A, %swap3A_148] : memref<8x480xf32, #tpu.memory_space<vmem>>, vector<8x480xf32>
      tpu.vector_store %arg20[%swap3A, %swap3A_148], %add3A_147 {strides = array<i32>} : memref<8x480xf32, #tpu.memory_space<vmem>>, vector<8x480xf32>,
    } else {
    }
    %mul3A_48 = arith.constant 16 : i32
    %mul3A_49 = arith.muli %arg0, %mul3A_48 : i32
    %add3A_50 = arith.constant 6 : i32
    %add3A_51 = arith.addi %mul3A_49, %add3A_50 : i32
    %lt3A_52 = arith.cmpi slt, %add3A_51, %get3A_0 : i32
    %convert_element_type3A_53 = arith.extui %lt3A_52 : i1 to i32
    %cond3A_54 = arith.constant 0 : i32
    %cond3A_55 = arith.cmpi ne, %convert_element_type3A_53, %cond3A_54 : i32
    scf.if %cond3A_55 {
      %get3A_133 = arith.constant 0 : index
      %get3A_134 = arith.constant 0 : index
      %get3A_135 = arith.constant 0 : index
      %get3A_136 = vector.load %arg9[%get3A_133, %get3A_134, %get3A_135] : memref<1x480x480xf32, #tpu.memory_space<vmem>>, vector<1x480x480xf32>
      %get3A_137 = vector.shape_cast %get3A_136 : vector<1x480x480xf32> to vector<480x480xf32>
      %logistic3A = arith.negf %get3A_137 : vector<480x480xf32>
      %logistic3A_138 = math.exp %logistic3A : vector<480x480xf32>
      %logistic3A_139 = arith.constant 1.000000e+00 : f32
      %logistic3A_140 = vector.broadcast %logistic3A_139 : f32 to vector<480x480xf32>
      %logistic3A_141 = arith.addf %logistic3A_140, %logistic3A_138 : vector<480x480xf32>
      %logistic3A_142 = arith.divf %logistic3A_140, %logistic3A_141 : vector<480x480xf32>
      %get3A_143 = arith.constant 0 : index
      %get3A_144 = arith.constant 0 : index
      %get3A_145 = vector.load %arg20[%get3A_143, %get3A_144] : memref<8x480xf32, #tpu.memory_space<vmem>>, vector<8x480xf32>
      %reshape3A = vector.shape_cast %logistic3A_142 : vector<480x480xf32> to vector<60x8x480xf32>
      %reduce_sum3A = arith.constant dense<0.000000e+00> : vector<8x480xf32>
      %reduce_sum3A_146 = vector.multi_reduction <add>, %reshape3A, %reduce_sum3A [0] : vector<60x8x480xf32> to vector<8x480xf32>
      %add3A_147 = arith.addf %get3A_145, %reduce_sum3A_146 : vector<8x480xf32>
      %swap3A = arith.constant 0 : index
      %swap3A_148 = arith.constant 0 : index
      %swap3A_149 = vector.load %arg20[%swap3A, %swap3A_148] : memref<8x480xf32, #tpu.memory_space<vmem>>, vector<8x480xf32>
      tpu.vector_store %arg20[%swap3A, %swap3A_148], %add3A_147 {strides = array<i32>} : memref<8x480xf32, #tpu.memory_space<vmem>>, vector<8x480xf32>,
    } else {
    }
    %mul3A_56 = arith.constant 16 : i32
    %mul3A_57 = arith.muli %arg0, %mul3A_56 : i32
    %add3A_58 = arith.constant 7 : i32
    %add3A_59 = arith.addi %mul3A_57, %add3A_58 : i32
    %lt3A_60 = arith.cmpi slt, %add3A_59, %get3A_0 : i32
    %convert_element_type3A_61 = arith.extui %lt3A_60 : i1 to i32
    %cond3A_62 = arith.constant 0 : i32
    %cond3A_63 = arith.cmpi ne, %convert_element_type3A_61, %cond3A_62 : i32
    scf.if %cond3A_63 {
      %get3A_133 = arith.constant 0 : index
      %get3A_134 = arith.constant 0 : index
      %get3A_135 = arith.constant 0 : index
      %get3A_136 = vector.load %arg10[%get3A_133, %get3A_134, %get3A_135] : memref<1x480x480xf32, #tpu.memory_space<vmem>>, vector<1x480x480xf32>
      %get3A_137 = vector.shape_cast %get3A_136 : vector<1x480x480xf32> to vector<480x480xf32>
      %logistic3A = arith.negf %get3A_137 : vector<480x480xf32>
      %logistic3A_138 = math.exp %logistic3A : vector<480x480xf32>
      %logistic3A_139 = arith.constant 1.000000e+00 : f32
      %logistic3A_140 = vector.broadcast %logistic3A_139 : f32 to vector<480x480xf32>
      %logistic3A_141 = arith.addf %logistic3A_140, %logistic3A_138 : vector<480x480xf32>
      %logistic3A_142 = arith.divf %logistic3A_140, %logistic3A_141 : vector<480x480xf32>
      %get3A_143 = arith.constant 0 : index
      %get3A_144 = arith.constant 0 : index
      %get3A_145 = vector.load %arg20[%get3A_143, %get3A_144] : memref<8x480xf32, #tpu.memory_space<vmem>>, vector<8x480xf32>
      %reshape3A = vector.shape_cast %logistic3A_142 : vector<480x480xf32> to vector<60x8x480xf32>
      %reduce_sum3A = arith.constant dense<0.000000e+00> : vector<8x480xf32>
      %reduce_sum3A_146 = vector.multi_reduction <add>, %reshape3A, %reduce_sum3A [0] : vector<60x8x480xf32> to vector<8x480xf32>
      %add3A_147 = arith.addf %get3A_145, %reduce_sum3A_146 : vector<8x480xf32>
      %swap3A = arith.constant 0 : index
      %swap3A_148 = arith.constant 0 : index
      %swap3A_149 = vector.load %arg20[%swap3A, %swap3A_148] : memref<8x480xf32, #tpu.memory_space<vmem>>, vector<8x480xf32>
      tpu.vector_store %arg20[%swap3A, %swap3A_148], %add3A_147 {strides = array<i32>} : memref<8x480xf32, #tpu.memory_space<vmem>>, vector<8x480xf32>,
    } else {
    }
    %mul3A_64 = arith.constant 16 : i32
    %mul3A_65 = arith.muli %arg0, %mul3A_64 : i32
    %add3A_66 = arith.constant 8 : i32
    %add3A_67 = arith.addi %mul3A_65, %add3A_66 : i32
    %lt3A_68 = arith.cmpi slt, %add3A_67, %get3A_0 : i32
    %convert_element_type3A_69 = arith.extui %lt3A_68 : i1 to i32
    %cond3A_70 = arith.constant 0 : i32
    %cond3A_71 = arith.cmpi ne, %convert_element_type3A_69, %cond3A_70 : i32
    scf.if %cond3A_71 {
      %get3A_133 = arith.constant 0 : index
      %get3A_134 = arith.constant 0 : index
      %get3A_135 = arith.constant 0 : index
      %get3A_136 = vector.load %arg11[%get3A_133, %get3A_134, %get3A_135] : memref<1x480x480xf32, #tpu.memory_space<vmem>>, vector<1x480x480xf32>
      %get3A_137 = vector.shape_cast %get3A_136 : vector<1x480x480xf32> to vector<480x480xf32>
      %logistic3A = arith.negf %get3A_137 : vector<480x480xf32>
      %logistic3A_138 = math.exp %logistic3A : vector<480x480xf32>
      %logistic3A_139 = arith.constant 1.000000e+00 : f32
      %logistic3A_140 = vector.broadcast %logistic3A_139 : f32 to vector<480x480xf32>
      %logistic3A_141 = arith.addf %logistic3A_140, %logistic3A_138 : vector<480x480xf32>
      %logistic3A_142 = arith.divf %logistic3A_140, %logistic3A_141 : vector<480x480xf32>
      %get3A_143 = arith.constant 0 : index
      %get3A_144 = arith.constant 0 : index
      %get3A_145 = vector.load %arg20[%get3A_143, %get3A_144] : memref<8x480xf32, #tpu.memory_space<vmem>>, vector<8x480xf32>
      %reshape3A = vector.shape_cast %logistic3A_142 : vector<480x480xf32> to vector<60x8x480xf32>
      %reduce_sum3A = arith.constant dense<0.000000e+00> : vector<8x480xf32>
      %reduce_sum3A_146 = vector.multi_reduction <add>, %reshape3A, %reduce_sum3A [0] : vector<60x8x480xf32> to vector<8x480xf32>
      %add3A_147 = arith.addf %get3A_145, %reduce_sum3A_146 : vector<8x480xf32>
      %swap3A = arith.constant 0 : index
      %swap3A_148 = arith.constant 0 : index
      %swap3A_149 = vector.load %arg20[%swap3A, %swap3A_148] : memref<8x480xf32, #tpu.memory_space<vmem>>, vector<8x480xf32>
      tpu.vector_store %arg20[%swap3A, %swap3A_148], %add3A_147 {strides = array<i32>} : memref<8x480xf32, #tpu.memory_space<vmem>>, vector<8x480xf32>,
    } else {
    }
    %mul3A_72 = arith.constant 16 : i32
    %mul3A_73 = arith.muli %arg0, %mul3A_72 : i32
    %add3A_74 = arith.constant 9 : i32
    %add3A_75 = arith.addi %mul3A_73, %add3A_74 : i32
    %lt3A_76 = arith.cmpi slt, %add3A_75, %get3A_0 : i32
    %convert_element_type3A_77 = arith.extui %lt3A_76 : i1 to i32
    %cond3A_78 = arith.constant 0 : i32
    %cond3A_79 = arith.cmpi ne, %convert_element_type3A_77, %cond3A_78 : i32
    scf.if %cond3A_79 {
      %get3A_133 = arith.constant 0 : index
      %get3A_134 = arith.constant 0 : index
      %get3A_135 = arith.constant 0 : index
      %get3A_136 = vector.load %arg12[%get3A_133, %get3A_134, %get3A_135] : memref<1x480x480xf32, #tpu.memory_space<vmem>>, vector<1x480x480xf32>
      %get3A_137 = vector.shape_cast %get3A_136 : vector<1x480x480xf32> to vector<480x480xf32>
      %logistic3A = arith.negf %get3A_137 : vector<480x480xf32>
      %logistic3A_138 = math.exp %logistic3A : vector<480x480xf32>
      %logistic3A_139 = arith.constant 1.000000e+00 : f32
      %logistic3A_140 = vector.broadcast %logistic3A_139 : f32 to vector<480x480xf32>
      %logistic3A_141 = arith.addf %logistic3A_140, %logistic3A_138 : vector<480x480xf32>
      %logistic3A_142 = arith.divf %logistic3A_140, %logistic3A_141 : vector<480x480xf32>
      %get3A_143 = arith.constant 0 : index
      %get3A_144 = arith.constant 0 : index
      %get3A_145 = vector.load %arg20[%get3A_143, %get3A_144] : memref<8x480xf32, #tpu.memory_space<vmem>>, vector<8x480xf32>
      %reshape3A = vector.shape_cast %logistic3A_142 : vector<480x480xf32> to vector<60x8x480xf32>
      %reduce_sum3A = arith.constant dense<0.000000e+00> : vector<8x480xf32>
      %reduce_sum3A_146 = vector.multi_reduction <add>, %reshape3A, %reduce_sum3A [0] : vector<60x8x480xf32> to vector<8x480xf32>
      %add3A_147 = arith.addf %get3A_145, %reduce_sum3A_146 : vector<8x480xf32>
      %swap3A = arith.constant 0 : index
      %swap3A_148 = arith.constant 0 : index
      %swap3A_149 = vector.load %arg20[%swap3A, %swap3A_148] : memref<8x480xf32, #tpu.memory_space<vmem>>, vector<8x480xf32>
      tpu.vector_store %arg20[%swap3A, %swap3A_148], %add3A_147 {strides = array<i32>} : memref<8x480xf32, #tpu.memory_space<vmem>>, vector<8x480xf32>,
    } else {
    }
    %mul3A_80 = arith.constant 16 : i32
    %mul3A_81 = arith.muli %arg0, %mul3A_80 : i32
    %add3A_82 = arith.constant 10 : i32
    %add3A_83 = arith.addi %mul3A_81, %add3A_82 : i32
    %lt3A_84 = arith.cmpi slt, %add3A_83, %get3A_0 : i32
    %convert_element_type3A_85 = arith.extui %lt3A_84 : i1 to i32
    %cond3A_86 = arith.constant 0 : i32
    %cond3A_87 = arith.cmpi ne, %convert_element_type3A_85, %cond3A_86 : i32
    scf.if %cond3A_87 {
      %get3A_133 = arith.constant 0 : index
      %get3A_134 = arith.constant 0 : index
      %get3A_135 = arith.constant 0 : index
      %get3A_136 = vector.load %arg13[%get3A_133, %get3A_134, %get3A_135] : memref<1x480x480xf32, #tpu.memory_space<vmem>>, vector<1x480x480xf32>
      %get3A_137 = vector.shape_cast %get3A_136 : vector<1x480x480xf32> to vector<480x480xf32>
      %logistic3A = arith.negf %get3A_137 : vector<480x480xf32>
      %logistic3A_138 = math.exp %logistic3A : vector<480x480xf32>
      %logistic3A_139 = arith.constant 1.000000e+00 : f32
      %logistic3A_140 = vector.broadcast %logistic3A_139 : f32 to vector<480x480xf32>
      %logistic3A_141 = arith.addf %logistic3A_140, %logistic3A_138 : vector<480x480xf32>
      %logistic3A_142 = arith.divf %logistic3A_140, %logistic3A_141 : vector<480x480xf32>
      %get3A_143 = arith.constant 0 : index
      %get3A_144 = arith.constant 0 : index
      %get3A_145 = vector.load %arg20[%get3A_143, %get3A_144] : memref<8x480xf32, #tpu.memory_space<vmem>>, vector<8x480xf32>
      %reshape3A = vector.shape_cast %logistic3A_142 : vector<480x480xf32> to vector<60x8x480xf32>
      %reduce_sum3A = arith.constant dense<0.000000e+00> : vector<8x480xf32>
      %reduce_sum3A_146 = vector.multi_reduction <add>, %reshape3A, %reduce_sum3A [0] : vector<60x8x480xf32> to vector<8x480xf32>
      %add3A_147 = arith.addf %get3A_145, %reduce_sum3A_146 : vector<8x480xf32>
      %swap3A = arith.constant 0 : index
      %swap3A_148 = arith.constant 0 : index
      %swap3A_149 = vector.load %arg20[%swap3A, %swap3A_148] : memref<8x480xf32, #tpu.memory_space<vmem>>, vector<8x480xf32>
      tpu.vector_store %arg20[%swap3A, %swap3A_148], %add3A_147 {strides = array<i32>} : memref<8x480xf32, #tpu.memory_space<vmem>>, vector<8x480xf32>,
    } else {
    }
    %mul3A_88 = arith.constant 16 : i32
    %mul3A_89 = arith.muli %arg0, %mul3A_88 : i32
    %add3A_90 = arith.constant 11 : i32
    %add3A_91 = arith.addi %mul3A_89, %add3A_90 : i32
    %lt3A_92 = arith.cmpi slt, %add3A_91, %get3A_0 : i32
    %convert_element_type3A_93 = arith.extui %lt3A_92 : i1 to i32
    %cond3A_94 = arith.constant 0 : i32
    %cond3A_95 = arith.cmpi ne, %convert_element_type3A_93, %cond3A_94 : i32
    scf.if %cond3A_95 {
      %get3A_133 = arith.constant 0 : index
      %get3A_134 = arith.constant 0 : index
      %get3A_135 = arith.constant 0 : index
      %get3A_136 = vector.load %arg14[%get3A_133, %get3A_134, %get3A_135] : memref<1x480x480xf32, #tpu.memory_space<vmem>>, vector<1x480x480xf32>
      %get3A_137 = vector.shape_cast %get3A_136 : vector<1x480x480xf32> to vector<480x480xf32>
      %logistic3A = arith.negf %get3A_137 : vector<480x480xf32>
      %logistic3A_138 = math.exp %logistic3A : vector<480x480xf32>
      %logistic3A_139 = arith.constant 1.000000e+00 : f32
      %logistic3A_140 = vector.broadcast %logistic3A_139 : f32 to vector<480x480xf32>
      %logistic3A_141 = arith.addf %logistic3A_140, %logistic3A_138 : vector<480x480xf32>
      %logistic3A_142 = arith.divf %logistic3A_140, %logistic3A_141 : vector<480x480xf32>
      %get3A_143 = arith.constant 0 : index
      %get3A_144 = arith.constant 0 : index
      %get3A_145 = vector.load %arg20[%get3A_143, %get3A_144] : memref<8x480xf32, #tpu.memory_space<vmem>>, vector<8x480xf32>
      %reshape3A = vector.shape_cast %logistic3A_142 : vector<480x480xf32> to vector<60x8x480xf32>
      %reduce_sum3A = arith.constant dense<0.000000e+00> : vector<8x480xf32>
      %reduce_sum3A_146 = vector.multi_reduction <add>, %reshape3A, %reduce_sum3A [0] : vector<60x8x480xf32> to vector<8x480xf32>
      %add3A_147 = arith.addf %get3A_145, %reduce_sum3A_146 : vector<8x480xf32>
      %swap3A = arith.constant 0 : index
      %swap3A_148 = arith.constant 0 : index
      %swap3A_149 = vector.load %arg20[%swap3A, %swap3A_148] : memref<8x480xf32, #tpu.memory_space<vmem>>, vector<8x480xf32>
      tpu.vector_store %arg20[%swap3A, %swap3A_148], %add3A_147 {strides = array<i32>} : memref<8x480xf32, #tpu.memory_space<vmem>>, vector<8x480xf32>,
    } else {
    }
    %mul3A_96 = arith.constant 16 : i32
    %mul3A_97 = arith.muli %arg0, %mul3A_96 : i32
    %add3A_98 = arith.constant 12 : i32
    %add3A_99 = arith.addi %mul3A_97, %add3A_98 : i32
    %lt3A_100 = arith.cmpi slt, %add3A_99, %get3A_0 : i32
    %convert_element_type3A_101 = arith.extui %lt3A_100 : i1 to i32
    %cond3A_102 = arith.constant 0 : i32
    %cond3A_103 = arith.cmpi ne, %convert_element_type3A_101, %cond3A_102 : i32
    scf.if %cond3A_103 {
      %get3A_133 = arith.constant 0 : index
      %get3A_134 = arith.constant 0 : index
      %get3A_135 = arith.constant 0 : index
      %get3A_136 = vector.load %arg15[%get3A_133, %get3A_134, %get3A_135] : memref<1x480x480xf32, #tpu.memory_space<vmem>>, vector<1x480x480xf32>
      %get3A_137 = vector.shape_cast %get3A_136 : vector<1x480x480xf32> to vector<480x480xf32>
      %logistic3A = arith.negf %get3A_137 : vector<480x480xf32>
      %logistic3A_138 = math.exp %logistic3A : vector<480x480xf32>
      %logistic3A_139 = arith.constant 1.000000e+00 : f32
      %logistic3A_140 = vector.broadcast %logistic3A_139 : f32 to vector<480x480xf32>
      %logistic3A_141 = arith.addf %logistic3A_140, %logistic3A_138 : vector<480x480xf32>
      %logistic3A_142 = arith.divf %logistic3A_140, %logistic3A_141 : vector<480x480xf32>
      %get3A_143 = arith.constant 0 : index
      %get3A_144 = arith.constant 0 : index
      %get3A_145 = vector.load %arg20[%get3A_143, %get3A_144] : memref<8x480xf32, #tpu.memory_space<vmem>>, vector<8x480xf32>
      %reshape3A = vector.shape_cast %logistic3A_142 : vector<480x480xf32> to vector<60x8x480xf32>
      %reduce_sum3A = arith.constant dense<0.000000e+00> : vector<8x480xf32>
      %reduce_sum3A_146 = vector.multi_reduction <add>, %reshape3A, %reduce_sum3A [0] : vector<60x8x480xf32> to vector<8x480xf32>
      %add3A_147 = arith.addf %get3A_145, %reduce_sum3A_146 : vector<8x480xf32>
      %swap3A = arith.constant 0 : index
      %swap3A_148 = arith.constant 0 : index
      %swap3A_149 = vector.load %arg20[%swap3A, %swap3A_148] : memref<8x480xf32, #tpu.memory_space<vmem>>, vector<8x480xf32>
      tpu.vector_store %arg20[%swap3A, %swap3A_148], %add3A_147 {strides = array<i32>} : memref<8x480xf32, #tpu.memory_space<vmem>>, vector<8x480xf32>,
    } else {
    }
    %mul3A_104 = arith.constant 16 : i32
    %mul3A_105 = arith.muli %arg0, %mul3A_104 : i32
    %add3A_106 = arith.constant 13 : i32
    %add3A_107 = arith.addi %mul3A_105, %add3A_106 : i32
    %lt3A_108 = arith.cmpi slt, %add3A_107, %get3A_0 : i32
    %convert_element_type3A_109 = arith.extui %lt3A_108 : i1 to i32
    %cond3A_110 = arith.constant 0 : i32
    %cond3A_111 = arith.cmpi ne, %convert_element_type3A_109, %cond3A_110 : i32
    scf.if %cond3A_111 {
      %get3A_133 = arith.constant 0 : index
      %get3A_134 = arith.constant 0 : index
      %get3A_135 = arith.constant 0 : index
      %get3A_136 = vector.load %arg16[%get3A_133, %get3A_134, %get3A_135] : memref<1x480x480xf32, #tpu.memory_space<vmem>>, vector<1x480x480xf32>
      %get3A_137 = vector.shape_cast %get3A_136 : vector<1x480x480xf32> to vector<480x480xf32>
      %logistic3A = arith.negf %get3A_137 : vector<480x480xf32>
      %logistic3A_138 = math.exp %logistic3A : vector<480x480xf32>
      %logistic3A_139 = arith.constant 1.000000e+00 : f32
      %logistic3A_140 = vector.broadcast %logistic3A_139 : f32 to vector<480x480xf32>
      %logistic3A_141 = arith.addf %logistic3A_140, %logistic3A_138 : vector<480x480xf32>
      %logistic3A_142 = arith.divf %logistic3A_140, %logistic3A_141 : vector<480x480xf32>
      %get3A_143 = arith.constant 0 : index
      %get3A_144 = arith.constant 0 : index
      %get3A_145 = vector.load %arg20[%get3A_143, %get3A_144] : memref<8x480xf32, #tpu.memory_space<vmem>>, vector<8x480xf32>
      %reshape3A = vector.shape_cast %logistic3A_142 : vector<480x480xf32> to vector<60x8x480xf32>
      %reduce_sum3A = arith.constant dense<0.000000e+00> : vector<8x480xf32>
      %reduce_sum3A_146 = vector.multi_reduction <add>, %reshape3A, %reduce_sum3A [0] : vector<60x8x480xf32> to vector<8x480xf32>
      %add3A_147 = arith.addf %get3A_145, %reduce_sum3A_146 : vector<8x480xf32>
      %swap3A = arith.constant 0 : index
      %swap3A_148 = arith.constant 0 : index
      %swap3A_149 = vector.load %arg20[%swap3A, %swap3A_148] : memref<8x480xf32, #tpu.memory_space<vmem>>, vector<8x480xf32>
      tpu.vector_store %arg20[%swap3A, %swap3A_148], %add3A_147 {strides = array<i32>} : memref<8x480xf32, #tpu.memory_space<vmem>>, vector<8x480xf32>,
    } else {
    }
    %mul3A_112 = arith.constant 16 : i32
    %mul3A_113 = arith.muli %arg0, %mul3A_112 : i32
    %add3A_114 = arith.constant 14 : i32
    %add3A_115 = arith.addi %mul3A_113, %add3A_114 : i32
    %lt3A_116 = arith.cmpi slt, %add3A_115, %get3A_0 : i32
    %convert_element_type3A_117 = arith.extui %lt3A_116 : i1 to i32
    %cond3A_118 = arith.constant 0 : i32
    %cond3A_119 = arith.cmpi ne, %convert_element_type3A_117, %cond3A_118 : i32
    scf.if %cond3A_119 {
      %get3A_133 = arith.constant 0 : index
      %get3A_134 = arith.constant 0 : index
      %get3A_135 = arith.constant 0 : index
      %get3A_136 = vector.load %arg17[%get3A_133, %get3A_134, %get3A_135] : memref<1x480x480xf32, #tpu.memory_space<vmem>>, vector<1x480x480xf32>
      %get3A_137 = vector.shape_cast %get3A_136 : vector<1x480x480xf32> to vector<480x480xf32>
      %logistic3A = arith.negf %get3A_137 : vector<480x480xf32>
      %logistic3A_138 = math.exp %logistic3A : vector<480x480xf32>
      %logistic3A_139 = arith.constant 1.000000e+00 : f32
      %logistic3A_140 = vector.broadcast %logistic3A_139 : f32 to vector<480x480xf32>
      %logistic3A_141 = arith.addf %logistic3A_140, %logistic3A_138 : vector<480x480xf32>
      %logistic3A_142 = arith.divf %logistic3A_140, %logistic3A_141 : vector<480x480xf32>
      %get3A_143 = arith.constant 0 : index
      %get3A_144 = arith.constant 0 : index
      %get3A_145 = vector.load %arg20[%get3A_143, %get3A_144] : memref<8x480xf32, #tpu.memory_space<vmem>>, vector<8x480xf32>
      %reshape3A = vector.shape_cast %logistic3A_142 : vector<480x480xf32> to vector<60x8x480xf32>
      %reduce_sum3A = arith.constant dense<0.000000e+00> : vector<8x480xf32>
      %reduce_sum3A_146 = vector.multi_reduction <add>, %reshape3A, %reduce_sum3A [0] : vector<60x8x480xf32> to vector<8x480xf32>
      %add3A_147 = arith.addf %get3A_145, %reduce_sum3A_146 : vector<8x480xf32>
      %swap3A = arith.constant 0 : index
      %swap3A_148 = arith.constant 0 : index
      %swap3A_149 = vector.load %arg20[%swap3A, %swap3A_148] : memref<8x480xf32, #tpu.memory_space<vmem>>, vector<8x480xf32>
      tpu.vector_store %arg20[%swap3A, %swap3A_148], %add3A_147 {strides = array<i32>} : memref<8x480xf32, #tpu.memory_space<vmem>>, vector<8x480xf32>,
    } else {
    }
    %mul3A_120 = arith.constant 16 : i32
    %mul3A_121 = arith.muli %arg0, %mul3A_120 : i32
    %add3A_122 = arith.constant 15 : i32
    %add3A_123 = arith.addi %mul3A_121, %add3A_122 : i32
    %lt3A_124 = arith.cmpi slt, %add3A_123, %get3A_0 : i32
    %convert_element_type3A_125 = arith.extui %lt3A_124 : i1 to i32
    %cond3A_126 = arith.constant 0 : i32
    %cond3A_127 = arith.cmpi ne, %convert_element_type3A_125, %cond3A_126 : i32
    scf.if %cond3A_127 {
      %get3A_133 = arith.constant 0 : index
      %get3A_134 = arith.constant 0 : index
      %get3A_135 = arith.constant 0 : index
      %get3A_136 = vector.load %arg18[%get3A_133, %get3A_134, %get3A_135] : memref<1x480x480xf32, #tpu.memory_space<vmem>>, vector<1x480x480xf32>
      %get3A_137 = vector.shape_cast %get3A_136 : vector<1x480x480xf32> to vector<480x480xf32>
      %logistic3A = arith.negf %get3A_137 : vector<480x480xf32>
      %logistic3A_138 = math.exp %logistic3A : vector<480x480xf32>
      %logistic3A_139 = arith.constant 1.000000e+00 : f32
      %logistic3A_140 = vector.broadcast %logistic3A_139 : f32 to vector<480x480xf32>
      %logistic3A_141 = arith.addf %logistic3A_140, %logistic3A_138 : vector<480x480xf32>
      %logistic3A_142 = arith.divf %logistic3A_140, %logistic3A_141 : vector<480x480xf32>
      %get3A_143 = arith.constant 0 : index
      %get3A_144 = arith.constant 0 : index
      %get3A_145 = vector.load %arg20[%get3A_143, %get3A_144] : memref<8x480xf32, #tpu.memory_space<vmem>>, vector<8x480xf32>
      %reshape3A = vector.shape_cast %logistic3A_142 : vector<480x480xf32> to vector<60x8x480xf32>
      %reduce_sum3A = arith.constant dense<0.000000e+00> : vector<8x480xf32>
      %reduce_sum3A_146 = vector.multi_reduction <add>, %reshape3A, %reduce_sum3A [0] : vector<60x8x480xf32> to vector<8x480xf32>
      %add3A_147 = arith.addf %get3A_145, %reduce_sum3A_146 : vector<8x480xf32>
      %swap3A = arith.constant 0 : index
      %swap3A_148 = arith.constant 0 : index
      %swap3A_149 = vector.load %arg20[%swap3A, %swap3A_148] : memref<8x480xf32, #tpu.memory_space<vmem>>, vector<8x480xf32>
      tpu.vector_store %arg20[%swap3A, %swap3A_148], %add3A_147 {strides = array<i32>} : memref<8x480xf32, #tpu.memory_space<vmem>>, vector<8x480xf32>,
    } else {
    }
    %eq3A_128 = arith.constant 7 : i32
    %eq3A_129 = arith.cmpi eq, %arg0, %eq3A_128 : i32
    %convert_element_type3A_130 = arith.extui %eq3A_129 : i1 to i32
    %cond3A_131 = arith.constant 0 : i32
    %cond3A_132 = arith.cmpi ne, %convert_element_type3A_130, %cond3A_131 : i32
    scf.if %cond3A_132 {
      %convert_element_type3A_133 = arith.sitofp %get3A_0 : i32 to f32
      %mul3A_134 = arith.constant 5.000000e-01 : f32
      %mul3A_135 = arith.mulf %mul3A_134, %convert_element_type3A_133 : f32
      %mul3A_136 = arith.constant 6.912000e+05 : f32
      %mul3A_137 = arith.mulf %mul3A_135, %mul3A_136 : f32
      %add3A_138 = arith.constant 1.000000e+00 : f32
      %add3A_139 = arith.addf %mul3A_137, %add3A_138 : f32
      %get3A_140 = arith.constant 0 : index
      %get3A_141 = arith.constant 0 : index
      %get3A_142 = vector.load %arg20[%get3A_140, %get3A_141] : memref<8x480xf32, #tpu.memory_space<vmem>>, vector<8x480xf32>
      %reduce_sum3A = vector.shape_cast %get3A_142 : vector<8x480xf32> to vector<1x8x480xf32>
      %reduce_sum3A_143 = arith.constant dense<0.000000e+00> : vector<1xf32>
      %reduce_sum3A_144 = vector.multi_reduction <add>, %reduce_sum3A, %reduce_sum3A_143 [1, 2] : vector<1x8x480xf32> to vector<1xf32>
      %reduce_sum3A_145 = vector.shape_cast %reduce_sum3A_144 : vector<1xf32> to vector<1x1x1xf32>
      %reduce_sum3A_146 = vector.extract %reduce_sum3A_145[0, 0, 0] : f32 from vector<1x1x1xf32>
      %broadcast_in_dim3A = vector.broadcast %reduce_sum3A_146 : f32 to vector<1x1xf32>
      %div3A = vector.broadcast %add3A_139 : f32 to vector<1x1xf32>
      %div3A_147 = arith.divf %broadcast_in_dim3A, %div3A : vector<1x1xf32>
      %swap3A = arith.constant 0 : index
      %swap3A_148 = arith.constant 0 : index
      %swap3A_149 = vector.load %arg19[%swap3A, %swap3A_148] : memref<1x1xf32, #tpu.memory_space<vmem>>, vector<1x1xf32>
      tpu.vector_store %arg19[%swap3A, %swap3A_148], %div3A_147 {strides = array<i32>} : memref<1x1xf32, #tpu.memory_space<vmem>>, vector<1x1xf32>,
    } else {
    }
    return
  }
  func.func @transform_0(%arg0: i32, %arg1: memref<128xi32, #tpu.memory_space<smem>>, %arg2: memref<1xi32, #tpu.memory_space<smem>>) -> (i32, i32, i32) {
    %mul3A = arith.constant 16 : i32
    %mul3A_0 = arith.muli %arg0, %mul3A : i32
    %add3A = arith.constant 0 : i32
    %add3A_1 = arith.addi %mul3A_0, %add3A : i32
    %get3A = arith.constant 0 : index
    %get3A_2 = memref.load %arg2[%get3A] : memref<1xi32, #tpu.memory_space<smem>>
    %sub3A = arith.constant 1 : i32
    %sub3A_3 = arith.subi %get3A_2, %sub3A : i32
    %min3A = arith.minsi %add3A_1, %sub3A_3 : i32
    %max3A = arith.constant 0 : i32
    %max3A_4 = arith.maxsi %min3A, %max3A : i32
    %get3A_5 = arith.index_cast %max3A_4 : i32 to index
    %get3A_6 = memref.load %arg1[%get3A_5] : memref<128xi32, #tpu.memory_space<smem>>
    %c0_i32 = arith.constant 0 : i32
    %c0_i32_7 = arith.constant 0 : i32
    %c0_i32_8 = arith.constant 0 : i32
    return %get3A_6, %c0_i32, %c0_i32_7 : i32, i32, i32
  }
  func.func @transform_1(%arg0: i32, %arg1: memref<128xi32, #tpu.memory_space<smem>>, %arg2: memref<1xi32, #tpu.memory_space<smem>>) -> (i32, i32, i32) {
    %mul3A = arith.constant 16 : i32
    %mul3A_0 = arith.muli %arg0, %mul3A : i32
    %add3A = arith.constant 1 : i32
    %add3A_1 = arith.addi %mul3A_0, %add3A : i32
    %get3A = arith.constant 0 : index
    %get3A_2 = memref.load %arg2[%get3A] : memref<1xi32, #tpu.memory_space<smem>>
    %sub3A = arith.constant 1 : i32
    %sub3A_3 = arith.subi %get3A_2, %sub3A : i32
    %min3A = arith.minsi %add3A_1, %sub3A_3 : i32
    %max3A = arith.constant 0 : i32
    %max3A_4 = arith.maxsi %min3A, %max3A : i32
    %get3A_5 = arith.index_cast %max3A_4 : i32 to index
    %get3A_6 = memref.load %arg1[%get3A_5] : memref<128xi32, #tpu.memory_space<smem>>
    %c0_i32 = arith.constant 0 : i32
    %c0_i32_7 = arith.constant 0 : i32
    %c0_i32_8 = arith.constant 0 : i32
    return %get3A_6, %c0_i32, %c0_i32_7 : i32, i32, i32
  }
  func.func @transform_2(%arg0: i32, %arg1: memref<128xi32, #tpu.memory_space<smem>>, %arg2: memref<1xi32, #tpu.memory_space<smem>>) -> (i32, i32, i32) {
    %mul3A = arith.constant 16 : i32
    %mul3A_0 = arith.muli %arg0, %mul3A : i32
    %add3A = arith.constant 2 : i32
    %add3A_1 = arith.addi %mul3A_0, %add3A : i32
    %get3A = arith.constant 0 : index
    %get3A_2 = memref.load %arg2[%get3A] : memref<1xi32, #tpu.memory_space<smem>>
    %sub3A = arith.constant 1 : i32
    %sub3A_3 = arith.subi %get3A_2, %sub3A : i32
    %min3A = arith.minsi %add3A_1, %sub3A_3 : i32
    %max3A = arith.constant 0 : i32
    %max3A_4 = arith.maxsi %min3A, %max3A : i32
    %get3A_5 = arith.index_cast %max3A_4 : i32 to index
    %get3A_6 = memref.load %arg1[%get3A_5] : memref<128xi32, #tpu.memory_space<smem>>
    %c0_i32 = arith.constant 0 : i32
    %c0_i32_7 = arith.constant 0 : i32
    %c0_i32_8 = arith.constant 0 : i32
    return %get3A_6, %c0_i32, %c0_i32_7 : i32, i32, i32
  }
  func.func @transform_3(%arg0: i32, %arg1: memref<128xi32, #tpu.memory_space<smem>>, %arg2: memref<1xi32, #tpu.memory_space<smem>>) -> (i32, i32, i32) {
    %mul3A = arith.constant 16 : i32
    %mul3A_0 = arith.muli %arg0, %mul3A : i32
    %add3A = arith.constant 3 : i32
    %add3A_1 = arith.addi %mul3A_0, %add3A : i32
    %get3A = arith.constant 0 : index
    %get3A_2 = memref.load %arg2[%get3A] : memref<1xi32, #tpu.memory_space<smem>>
    %sub3A = arith.constant 1 : i32
    %sub3A_3 = arith.subi %get3A_2, %sub3A : i32
    %min3A = arith.minsi %add3A_1, %sub3A_3 : i32
    %max3A = arith.constant 0 : i32
    %max3A_4 = arith.maxsi %min3A, %max3A : i32
    %get3A_5 = arith.index_cast %max3A_4 : i32 to index
    %get3A_6 = memref.load %arg1[%get3A_5] : memref<128xi32, #tpu.memory_space<smem>>
    %c0_i32 = arith.constant 0 : i32
    %c0_i32_7 = arith.constant 0 : i32
    %c0_i32_8 = arith.constant 0 : i32
    return %get3A_6, %c0_i32, %c0_i32_7 : i32, i32, i32
  }
  func.func @transform_4(%arg0: i32, %arg1: memref<128xi32, #tpu.memory_space<smem>>, %arg2: memref<1xi32, #tpu.memory_space<smem>>) -> (i32, i32, i32) {
    %mul3A = arith.constant 16 : i32
    %mul3A_0 = arith.muli %arg0, %mul3A : i32
    %add3A = arith.constant 4 : i32
    %add3A_1 = arith.addi %mul3A_0, %add3A : i32
    %get3A = arith.constant 0 : index
    %get3A_2 = memref.load %arg2[%get3A] : memref<1xi32, #tpu.memory_space<smem>>
    %sub3A = arith.constant 1 : i32
    %sub3A_3 = arith.subi %get3A_2, %sub3A : i32
    %min3A = arith.minsi %add3A_1, %sub3A_3 : i32
    %max3A = arith.constant 0 : i32
    %max3A_4 = arith.maxsi %min3A, %max3A : i32
    %get3A_5 = arith.index_cast %max3A_4 : i32 to index
    %get3A_6 = memref.load %arg1[%get3A_5] : memref<128xi32, #tpu.memory_space<smem>>
    %c0_i32 = arith.constant 0 : i32
    %c0_i32_7 = arith.constant 0 : i32
    %c0_i32_8 = arith.constant 0 : i32
    return %get3A_6, %c0_i32, %c0_i32_7 : i32, i32, i32
  }
  func.func @transform_5(%arg0: i32, %arg1: memref<128xi32, #tpu.memory_space<smem>>, %arg2: memref<1xi32, #tpu.memory_space<smem>>) -> (i32, i32, i32) {
    %mul3A = arith.constant 16 : i32
    %mul3A_0 = arith.muli %arg0, %mul3A : i32
    %add3A = arith.constant 5 : i32
    %add3A_1 = arith.addi %mul3A_0, %add3A : i32
    %get3A = arith.constant 0 : index
    %get3A_2 = memref.load %arg2[%get3A] : memref<1xi32, #tpu.memory_space<smem>>
    %sub3A = arith.constant 1 : i32
    %sub3A_3 = arith.subi %get3A_2, %sub3A : i32
    %min3A = arith.minsi %add3A_1, %sub3A_3 : i32
    %max3A = arith.constant 0 : i32
    %max3A_4 = arith.maxsi %min3A, %max3A : i32
    %get3A_5 = arith.index_cast %max3A_4 : i32 to index
    %get3A_6 = memref.load %arg1[%get3A_5] : memref<128xi32, #tpu.memory_space<smem>>
    %c0_i32 = arith.constant 0 : i32
    %c0_i32_7 = arith.constant 0 : i32
    %c0_i32_8 = arith.constant 0 : i32
    return %get3A_6, %c0_i32, %c0_i32_7 : i32, i32, i32
  }
  func.func @transform_6(%arg0: i32, %arg1: memref<128xi32, #tpu.memory_space<smem>>, %arg2: memref<1xi32, #tpu.memory_space<smem>>) -> (i32, i32, i32) {
    %mul3A = arith.constant 16 : i32
    %mul3A_0 = arith.muli %arg0, %mul3A : i32
    %add3A = arith.constant 6 : i32
    %add3A_1 = arith.addi %mul3A_0, %add3A : i32
    %get3A = arith.constant 0 : index
    %get3A_2 = memref.load %arg2[%get3A] : memref<1xi32, #tpu.memory_space<smem>>
    %sub3A = arith.constant 1 : i32
    %sub3A_3 = arith.subi %get3A_2, %sub3A : i32
    %min3A = arith.minsi %add3A_1, %sub3A_3 : i32
    %max3A = arith.constant 0 : i32
    %max3A_4 = arith.maxsi %min3A, %max3A : i32
    %get3A_5 = arith.index_cast %max3A_4 : i32 to index
    %get3A_6 = memref.load %arg1[%get3A_5] : memref<128xi32, #tpu.memory_space<smem>>
    %c0_i32 = arith.constant 0 : i32
    %c0_i32_7 = arith.constant 0 : i32
    %c0_i32_8 = arith.constant 0 : i32
    return %get3A_6, %c0_i32, %c0_i32_7 : i32, i32, i32
  }
  func.func @transform_7(%arg0: i32, %arg1: memref<128xi32, #tpu.memory_space<smem>>, %arg2: memref<1xi32, #tpu.memory_space<smem>>) -> (i32, i32, i32) {
    %mul3A = arith.constant 16 : i32
    %mul3A_0 = arith.muli %arg0, %mul3A : i32
    %add3A = arith.constant 7 : i32
    %add3A_1 = arith.addi %mul3A_0, %add3A : i32
    %get3A = arith.constant 0 : index
    %get3A_2 = memref.load %arg2[%get3A] : memref<1xi32, #tpu.memory_space<smem>>
    %sub3A = arith.constant 1 : i32
    %sub3A_3 = arith.subi %get3A_2, %sub3A : i32
    %min3A = arith.minsi %add3A_1, %sub3A_3 : i32
    %max3A = arith.constant 0 : i32
    %max3A_4 = arith.maxsi %min3A, %max3A : i32
    %get3A_5 = arith.index_cast %max3A_4 : i32 to index
    %get3A_6 = memref.load %arg1[%get3A_5] : memref<128xi32, #tpu.memory_space<smem>>
    %c0_i32 = arith.constant 0 : i32
    %c0_i32_7 = arith.constant 0 : i32
    %c0_i32_8 = arith.constant 0 : i32
    return %get3A_6, %c0_i32, %c0_i32_7 : i32, i32, i32
  }
  func.func @transform_8(%arg0: i32, %arg1: memref<128xi32, #tpu.memory_space<smem>>, %arg2: memref<1xi32, #tpu.memory_space<smem>>) -> (i32, i32, i32) {
    %mul3A = arith.constant 16 : i32
    %mul3A_0 = arith.muli %arg0, %mul3A : i32
    %add3A = arith.constant 8 : i32
    %add3A_1 = arith.addi %mul3A_0, %add3A : i32
    %get3A = arith.constant 0 : index
    %get3A_2 = memref.load %arg2[%get3A] : memref<1xi32, #tpu.memory_space<smem>>
    %sub3A = arith.constant 1 : i32
    %sub3A_3 = arith.subi %get3A_2, %sub3A : i32
    %min3A = arith.minsi %add3A_1, %sub3A_3 : i32
    %max3A = arith.constant 0 : i32
    %max3A_4 = arith.maxsi %min3A, %max3A : i32
    %get3A_5 = arith.index_cast %max3A_4 : i32 to index
    %get3A_6 = memref.load %arg1[%get3A_5] : memref<128xi32, #tpu.memory_space<smem>>
    %c0_i32 = arith.constant 0 : i32
    %c0_i32_7 = arith.constant 0 : i32
    %c0_i32_8 = arith.constant 0 : i32
    return %get3A_6, %c0_i32, %c0_i32_7 : i32, i32, i32
  }
  func.func @transform_9(%arg0: i32, %arg1: memref<128xi32, #tpu.memory_space<smem>>, %arg2: memref<1xi32, #tpu.memory_space<smem>>) -> (i32, i32, i32) {
    %mul3A = arith.constant 16 : i32
    %mul3A_0 = arith.muli %arg0, %mul3A : i32
    %add3A = arith.constant 9 : i32
    %add3A_1 = arith.addi %mul3A_0, %add3A : i32
    %get3A = arith.constant 0 : index
    %get3A_2 = memref.load %arg2[%get3A] : memref<1xi32, #tpu.memory_space<smem>>
    %sub3A = arith.constant 1 : i32
    %sub3A_3 = arith.subi %get3A_2, %sub3A : i32
    %min3A = arith.minsi %add3A_1, %sub3A_3 : i32
    %max3A = arith.constant 0 : i32
    %max3A_4 = arith.maxsi %min3A, %max3A : i32
    %get3A_5 = arith.index_cast %max3A_4 : i32 to index
    %get3A_6 = memref.load %arg1[%get3A_5] : memref<128xi32, #tpu.memory_space<smem>>
    %c0_i32 = arith.constant 0 : i32
    %c0_i32_7 = arith.constant 0 : i32
    %c0_i32_8 = arith.constant 0 : i32
    return %get3A_6, %c0_i32, %c0_i32_7 : i32, i32, i32
  }
  func.func @transform_10(%arg0: i32, %arg1: memref<128xi32, #tpu.memory_space<smem>>, %arg2: memref<1xi32, #tpu.memory_space<smem>>) -> (i32, i32, i32) {
    %mul3A = arith.constant 16 : i32
    %mul3A_0 = arith.muli %arg0, %mul3A : i32
    %add3A = arith.constant 10 : i32
    %add3A_1 = arith.addi %mul3A_0, %add3A : i32
    %get3A = arith.constant 0 : index
    %get3A_2 = memref.load %arg2[%get3A] : memref<1xi32, #tpu.memory_space<smem>>
    %sub3A = arith.constant 1 : i32
    %sub3A_3 = arith.subi %get3A_2, %sub3A : i32
    %min3A = arith.minsi %add3A_1, %sub3A_3 : i32
    %max3A = arith.constant 0 : i32
    %max3A_4 = arith.maxsi %min3A, %max3A : i32
    %get3A_5 = arith.index_cast %max3A_4 : i32 to index
    %get3A_6 = memref.load %arg1[%get3A_5] : memref<128xi32, #tpu.memory_space<smem>>
    %c0_i32 = arith.constant 0 : i32
    %c0_i32_7 = arith.constant 0 : i32
    %c0_i32_8 = arith.constant 0 : i32
    return %get3A_6, %c0_i32, %c0_i32_7 : i32, i32, i32
  }
  func.func @transform_11(%arg0: i32, %arg1: memref<128xi32, #tpu.memory_space<smem>>, %arg2: memref<1xi32, #tpu.memory_space<smem>>) -> (i32, i32, i32) {
    %mul3A = arith.constant 16 : i32
    %mul3A_0 = arith.muli %arg0, %mul3A : i32
    %add3A = arith.constant 11 : i32
    %add3A_1 = arith.addi %mul3A_0, %add3A : i32
    %get3A = arith.constant 0 : index
    %get3A_2 = memref.load %arg2[%get3A] : memref<1xi32, #tpu.memory_space<smem>>
    %sub3A = arith.constant 1 : i32
    %sub3A_3 = arith.subi %get3A_2, %sub3A : i32
    %min3A = arith.minsi %add3A_1, %sub3A_3 : i32
    %max3A = arith.constant 0 : i32
    %max3A_4 = arith.maxsi %min3A, %max3A : i32
    %get3A_5 = arith.index_cast %max3A_4 : i32 to index
    %get3A_6 = memref.load %arg1[%get3A_5] : memref<128xi32, #tpu.memory_space<smem>>
    %c0_i32 = arith.constant 0 : i32
    %c0_i32_7 = arith.constant 0 : i32
    %c0_i32_8 = arith.constant 0 : i32
    return %get3A_6, %c0_i32, %c0_i32_7 : i32, i32, i32
  }
  func.func @transform_12(%arg0: i32, %arg1: memref<128xi32, #tpu.memory_space<smem>>, %arg2: memref<1xi32, #tpu.memory_space<smem>>) -> (i32, i32, i32) {
    %mul3A = arith.constant 16 : i32
    %mul3A_0 = arith.muli %arg0, %mul3A : i32
    %add3A = arith.constant 12 : i32
    %add3A_1 = arith.addi %mul3A_0, %add3A : i32
    %get3A = arith.constant 0 : index
    %get3A_2 = memref.load %arg2[%get3A] : memref<1xi32, #tpu.memory_space<smem>>
    %sub3A = arith.constant 1 : i32
    %sub3A_3 = arith.subi %get3A_2, %sub3A : i32
    %min3A = arith.minsi %add3A_1, %sub3A_3 : i32
    %max3A = arith.constant 0 : i32
    %max3A_4 = arith.maxsi %min3A, %max3A : i32
    %get3A_5 = arith.index_cast %max3A_4 : i32 to index
    %get3A_6 = memref.load %arg1[%get3A_5] : memref<128xi32, #tpu.memory_space<smem>>
    %c0_i32 = arith.constant 0 : i32
    %c0_i32_7 = arith.constant 0 : i32
    %c0_i32_8 = arith.constant 0 : i32
    return %get3A_6, %c0_i32, %c0_i32_7 : i32, i32, i32
  }
  func.func @transform_13(%arg0: i32, %arg1: memref<128xi32, #tpu.memory_space<smem>>, %arg2: memref<1xi32, #tpu.memory_space<smem>>) -> (i32, i32, i32) {
    %mul3A = arith.constant 16 : i32
    %mul3A_0 = arith.muli %arg0, %mul3A : i32
    %add3A = arith.constant 13 : i32
    %add3A_1 = arith.addi %mul3A_0, %add3A : i32
    %get3A = arith.constant 0 : index
    %get3A_2 = memref.load %arg2[%get3A] : memref<1xi32, #tpu.memory_space<smem>>
    %sub3A = arith.constant 1 : i32
    %sub3A_3 = arith.subi %get3A_2, %sub3A : i32
    %min3A = arith.minsi %add3A_1, %sub3A_3 : i32
    %max3A = arith.constant 0 : i32
    %max3A_4 = arith.maxsi %min3A, %max3A : i32
    %get3A_5 = arith.index_cast %max3A_4 : i32 to index
    %get3A_6 = memref.load %arg1[%get3A_5] : memref<128xi32, #tpu.memory_space<smem>>
    %c0_i32 = arith.constant 0 : i32
    %c0_i32_7 = arith.constant 0 : i32
    %c0_i32_8 = arith.constant 0 : i32
    return %get3A_6, %c0_i32, %c0_i32_7 : i32, i32, i32
  }
  func.func @transform_14(%arg0: i32, %arg1: memref<128xi32, #tpu.memory_space<smem>>, %arg2: memref<1xi32, #tpu.memory_space<smem>>) -> (i32, i32, i32) {
    %mul3A = arith.constant 16 : i32
    %mul3A_0 = arith.muli %arg0, %mul3A : i32
    %add3A = arith.constant 14 : i32
    %add3A_1 = arith.addi %mul3A_0, %add3A : i32
    %get3A = arith.constant 0 : index
    %get3A_2 = memref.load %arg2[%get3A] : memref<1xi32, #tpu.memory_space<smem>>
    %sub3A = arith.constant 1 : i32
    %sub3A_3 = arith.subi %get3A_2, %sub3A : i32
    %min3A = arith.minsi %add3A_1, %sub3A_3 : i32
    %max3A = arith.constant 0 : i32
    %max3A_4 = arith.maxsi %min3A, %max3A : i32
    %get3A_5 = arith.index_cast %max3A_4 : i32 to index
    %get3A_6 = memref.load %arg1[%get3A_5] : memref<128xi32, #tpu.memory_space<smem>>
    %c0_i32 = arith.constant 0 : i32
    %c0_i32_7 = arith.constant 0 : i32
    %c0_i32_8 = arith.constant 0 : i32
    return %get3A_6, %c0_i32, %c0_i32_7 : i32, i32, i32
  }
  func.func @transform_15(%arg0: i32, %arg1: memref<128xi32, #tpu.memory_space<smem>>, %arg2: memref<1xi32, #tpu.memory_space<smem>>) -> (i32, i32, i32) {
    %mul3A = arith.constant 16 : i32
    %mul3A_0 = arith.muli %arg0, %mul3A : i32
    %add3A = arith.constant 15 : i32
    %add3A_1 = arith.addi %mul3A_0, %add3A : i32
    %get3A = arith.constant 0 : index
    %get3A_2 = memref.load %arg2[%get3A] : memref<1xi32, #tpu.memory_space<smem>>
    %sub3A = arith.constant 1 : i32
    %sub3A_3 = arith.subi %get3A_2, %sub3A : i32
    %min3A = arith.minsi %add3A_1, %sub3A_3 : i32
    %max3A = arith.constant 0 : i32
    %max3A_4 = arith.maxsi %min3A, %max3A : i32
    %get3A_5 = arith.index_cast %max3A_4 : i32 to index
    %get3A_6 = memref.load %arg1[%get3A_5] : memref<128xi32, #tpu.memory_space<smem>>
    %c0_i32 = arith.constant 0 : i32
    %c0_i32_7 = arith.constant 0 : i32
    %c0_i32_8 = arith.constant 0 : i32
    return %get3A_6, %c0_i32, %c0_i32_7 : i32, i32, i32
  }
  func.func @transform_16(%arg0: i32, %arg1: memref<128xi32, #tpu.memory_space<smem>>, %arg2: memref<1xi32, #tpu.memory_space<smem>>) -> (i32, i32) {
    %c0_i32 = arith.constant 0 : i32
    %c0_i32_0 = arith.constant 0 : i32
    %c0_i32_1 = arith.constant 0 : i32
    return %c0_i32, %c0_i32_0 : i32, i32
  }
}

</mosaic_0001>

<sc_bundles>
// kernel: kernel.4.cloned.1.call-start
scs
__scs_entry_jumppad:
0x0: {  	(pc) =	sbr.rel $0x88, $3  }
0x1: {  	(tag) =	ssettag $0x0;
	lr =	simm.s32 $0x1  }
0x2: {  	[smem:$0x3F9F] =	sst lr;
	_ =	strace $0xD0000000  }
0x3: {  	_ = 	snop  }
0x4: {  	_ = 	snop  }
0x5: {  	_ = 	snop  }
0x6: {  	_ = 	snop  }
0x7: {  	_ = 	snop  }
__scs_overlays_trampoline_lowered:
0x8: {  	[smem:$0x3FAE] =	sst s0  }
0x9: {  	[smem:$0x3FAF] =	sst s1  }
0xa: {  	[smem:$0x3FB0] =	sst s2  }
0xb: {  	[smem:$0x3FB1] =	sst s3  }
0xc: {  	[smem:$0x3FB2] =	sst s4  }
0xd: {  	[smem:$0x3FB3] =	sst s5  }
0xe: {  	[smem:$0x3FB4] =	sst s6  }
0xf: {  	[smem:$0x3FB5] =	sst s7  }
0x10: {  	[smem:$0x3FB6] =	sst s8  }
0x11: {  	[smem:$0x3FB7] =	sst s9;
	s0 =	simm.s32 @!p0 $0x0  }
0x12: {  	s1 =	sld [smem:$0x3F9D];
	s0 =	simm.s32 @p0 $0x1  }
0x13: {  	[smem:$0x3FB8] =	sst s0;
	s0 =	simm.s32 @!p1 $0x0  }
0x14: {  	s2 =	sld [smem:$0x3F9C];
	s0 =	simm.s32 @p1 $0x1  }
0x15: {  	[smem:$0x3FB9] =	sst s0;
	s0 =	simm.s32 @!p2 $0x0  }
0x16: {  	s3 =	sld [smem:$0x3FDB];
	s0 =	simm.s32 @p2 $0x1  }
0x17: {  	s4 =	simm.s32 $0x1BF5;
	[smem:$0x3FBB] =	sst s0  }
0x18: {  	s0 =	sld [smem:$0x3F9E];
	_ =	swait.ge [sflag:s4], $0x0  }
0x19: {  	s7 =	sld [smem:$0x3F9F]  }
0x1a: {  	s8 =	sadd.s32 $0xFFFFE003, lr  }
0x1b: {  	s9 =	sadd.s32 $0xFFFFFEF7, lr;
	s5 =	simm.s32 $0xFFFFFFFF;
	p2 =	slt.u32 s8, $0xFFFFF086  }
0x1c: {  	p1 =	slt.u32 s9, $0xF7A;
	s5 =	simm.s32 @!p2 $0x0  }
0x1d: {  	s5 =	simm.s32 @p1 $0x1;
	p0 =	seq.s32 s7, s2  }
0x1e: {  	s7 =	smul.u32 @!p0 $0xF7A, s2;
	p2 =	seq.s32 @!p0 s5, $0x0  }
0x1f: {  	s9 =	smul.u32 $0xF7A, s1;
	s8 =	simm.s32 @!p0 $0x1BF5;
	p2 =	por !p2, p0  }
0x20: {  	[sflag:s8] =	ssyncset.s32 @!p0 $0xFFFFF086;
	s6 =	sadd.s32 @!p0 s3, s7;
	s7 =	simm.s32 @!p0 $0x108  }
0x21: {  	s3 =	sadd.s32 s3, s9;
	s6 =	sadd.s32 @!p0 $0x88, s6;
	s7 =	simm.s32 @p2 $0x1082  }
0x22: {  	[simem:s7], [sflag:s8] =	dma.local @!p0 [hbm:s6], $0xF7A  }
0x23: {  	s9 =	sor.u32 $0xD0000000, s2;
	s6 =	simm.s32 $0x108;
	_ =	swait.ge @!p0 [sflag:s8], $0x0  }
0x24: {  	s3 =	sadd.s32 $0x88, s3;
	s6 =	simm.s32 @!p1 $0x1082;
	[sflag:s4] =	ssyncset.s32 $0xFFFFF086  }
0x25: {  	[simem:s6], [sflag:s4] =	dma.local [hbm:s3], $0xF7A  }
0x26: {  	[smem:$0x3F9F] =	sst s1;
	(tag) =	ssettag s2;
	_ =	strace s9  }
0x27: {  	s1 =	sld [smem:$0x3FAF]  }
0x28: {  	s2 =	sld [smem:$0x3FB0]  }
0x29: {  	s4 =	sld [smem:$0x3FB2]  }
0x2a: {  	p0 =	seq.s32 s5, $0x0;
	s5 =	sld [smem:$0x3FB3]  }
0x2b: {  	s6 =	sld [smem:$0x3FB4]  }
0x2c: {  	s7 =	sld [smem:$0x3FB5]  }
0x2d: {  	s3 =	simm.s32 $0x108;
	s8 =	sld [smem:$0x3FB6]  }
0x2e: {  	s3 =	simm.s32 @!p0 $0x1082;
	s9 =	sld [smem:$0x3FB7]  }
0x2f: {  	lr =	sadd.s32 s0, s3;
	s0 =	sld [smem:$0x3FAE]  }
0x30: {  	s3 =	sld [smem:$0x3FB1]  }
0x31: {  	[smem:$0x3FBA] =	sst s10  }
0x32: {  	s10 =	sld [smem:$0x3FB8];
	_ =	sdelay $0x3  }
0x33: {  	p0 =	seq.s32 s10, $0x1;
	s10 =	sld [smem:$0x3FBA];
	_ =	sdelay $0x3  }
0x34: {  	[smem:$0x3FBA] =	sst s10  }
0x35: {  	s10 =	sld [smem:$0x3FB9];
	_ =	sdelay $0x3  }
0x36: {  	p1 =	seq.s32 s10, $0x1;
	s10 =	sld [smem:$0x3FBA];
	_ =	sdelay $0x3  }
0x37: {  	[smem:$0x3FBA] =	sst s10  }
0x38: {  	s10 =	sld [smem:$0x3FBB]  }
0x39: {  	_ = 	snop;
	(pc) =	sbr.ind lr, $3  }
0x3a: {  	_ = 	snop  }
0x3b: {  	_ = 	snop  }
0x3c: {  	p2 =	seq.s32 s10, $0x1;
	s10 =	sld [smem:$0x3FBA]  }
0x3d: {  	_ =	shalt  }
0x3e: {  	_ =	shalt  }
0x3f: {  	_ =	shalt  }
0x40: {  	_ =	shalt  }
0x41: {  	_ =	shalt  }
0x42: {  	_ =	shalt  }
0x43: {  	_ =	shalt  }
0x44: {  	_ =	shalt  }
0x45: {  	_ =	shalt  }
0x46: {  	_ =	shalt  }
0x47: {  	_ =	shalt  }
0x48: {  	_ =	shalt  }
0x49: {  	_ =	shalt  }
0x4a: {  	_ =	shalt  }
0x4b: {  	_ =	shalt  }
0x4c: {  	_ =	shalt  }
0x4d: {  	_ =	shalt  }
0x4e: {  	_ =	shalt  }
0x4f: {  	_ =	shalt  }
0x50: {  	_ =	shalt  }
0x51: {  	_ =	shalt  }
0x52: {  	_ =	shalt  }
0x53: {  	_ =	shalt  }
0x54: {  	_ =	shalt  }
0x55: {  	_ =	shalt  }
0x56: {  	_ =	shalt  }
0x57: {  	_ =	shalt  }
0x58: {  	_ =	shalt  }
0x59: {  	_ =	shalt  }
0x5a: {  	_ =	shalt  }
0x5b: {  	_ =	shalt  }
0x5c: {  	_ =	shalt  }
0x5d: {  	_ =	shalt  }
0x5e: {  	_ =	shalt  }
0x5f: {  	_ =	shalt  }
0x60: {  	_ =	shalt  }
0x61: {  	_ =	shalt  }
0x62: {  	_ =	shalt  }
0x63: {  	_ =	shalt  }
0x64: {  	_ =	shalt  }
0x65: {  	_ =	shalt  }
0x66: {  	_ =	shalt  }
0x67: {  	_ =	shalt  }
0x68: {  	_ =	shalt  }
0x69: {  	_ =	shalt  }
0x6a: {  	_ =	shalt  }
0x6b: {  	_ =	shalt  }
0x6c: {  	_ =	shalt  }
0x6d: {  	_ =	shalt  }
0x6e: {  	_ =	shalt  }
0x6f: {  	_ =	shalt  }
0x70: {  	_ =	shalt  }
0x71: {  	_ =	shalt  }
0x72: {  	_ =	shalt  }
0x73: {  	_ =	shalt  }
0x74: {  	_ =	shalt  }
0x75: {  	_ =	shalt  }
0x76: {  	_ =	shalt  }
0x77: {  	_ =	shalt  }
0x78: {  	_ =	shalt  }
0x79: {  	_ =	shalt  }
0x7a: {  	_ =	shalt  }
0x7b: {  	_ =	shalt  }
0x7c: {  	_ =	shalt  }
0x7d: {  	_ =	shalt  }
0x7e: {  	_ =	shalt  }
0x7f: {  	_ =	shalt  }
0x80: {  	_ =	shalt  }
0x81: {  	_ =	shalt  }
0x82: {  	_ =	shalt  }
0x83: {  	_ =	shalt  }
0x84: {  	_ =	shalt  }
0x85: {  	_ =	shalt  }
0x86: {  	_ =	shalt  }
0x87: {  	_ =	shalt  }
.Lfunc_end0:
.L_simem_size_0:
called_computation_lowered:
.L_overlay_start_0:
0x88: {  	s2 =	sld [smem:$0x3FD9]  }
0x89: {  	s3 =	sld [smem:$0x3FFE];
	_ =	sdelay $0x1  }
0x8a: {  	s1 =	srdreg.scid  }
0x8b: {  	s0 =	sand.u32 $0x1, s1  }
0x8c: {  	s17 =	sshll.u32 s0, $0xA;
	s2 =	sadd.s32 s3, s2  }
0x8d: {  	s2 =	sadd.s32 s2, s17  }
0x8e: {  	[smem:$0x3FC6] =	sst s2  }
0x8f: {  	_ = 	snop  }
0x90: {  	s2 =	sld [smem:$0x3FC8]  }
0x91: {  	s18 =	sld [smem:$0x3FD0];
	(tm) =	ssettm $0x1  }
0x92: {  	s4 =	sld [smem:$0x3FFB];
	_ =	sdelay $0x3  }
0x93: {  	_ =	strace s4  }
0x94: {  	s4 =	sld [smem:$0x3FFC];
	_ =	sdelay $0x3  }
0x95: {  	_ =	strace s4  }
0x96: {  	s4 =	sld [smem:$0x3FFD];
	_ =	sdelay $0x3  }
0x97: {  	_ =	strace s4  }
0x98: {  	_ =	strace $0x8FFFFFFF  }
0x99: {  	s19 =	sld [smem:$0x3FDB];
	_ =	sdelay $0x1  }
0x9a: {  	s5 =	simm.s32 $_scs_section_size  }
0x9b: {  	s6 =	simm.s32 $_size__tile_overlayer_lowered;
	s7 =	simm.s32 $_tile_overlayer_lowered  }
0x9c: {  	s22 =	simm.s32 $0x1BFF;
	s21 =	sshll.u32 s7, $0x1;
	s4 =	sadd.s32 s5, s19  }
0x9d: {  	s8 =	simm.s32 $0x0;
	s20 =	sshll.u32 s6, $0x1;
	s6 =	sadd.s32 s21, s4  }
0x9e: {  	[timem:s8], [sflag:s22] =	dma.local [hbm:s6], s20  }
0x9f: {  	_ =	swait.ge [sflag:s22], s20  }
0xa0: {  	s5 =	ssub.s32 $0x0, s20;
	[sflag:s22] =	ssyncset.done $0x0  }
0xa1: {  	[sflag:s22] =	ssyncadd.s32 s5;
	_ =	sdelay $0x1  }
0xa2: {  	s23 =	simm.s32 $0x1B8B  }
0xa3: {  	_ =	swait.ge [sflag:s23], $0x1  }
0xa4: {  	[sflag:s23] =	ssyncset.done $0x0  }
0xa5: {  	s25 =	simm.s32 $0x1B8E;
	s24 =	sld [smem:$0x3FFE];
	[sflag:s23] =	ssyncadd.s32 $0xFFFFFFFF  }
0xa6: {  	s26 =	simm.s32 $execute0_lowered;
	[smem:$0x3FD2] =	sst s25  }
0xa7: {  	s6 =	sshll.u32 s26, $0x1;
	_ =	strace $0x80000046;
	[dreg:$0x1] =	wrdreg $0xFFFFFFFF  }
0xa8: {  	s28 =	simm.s32 $_size_execute0_lowered;
	s4 =	sadd.s32 s4, s6;
	[dreg:$0x0] =	wrdreg $0x0  }
0xa9: {  	s6 =	sshll.u32 s28, $0x1;
	[dreg:$0x2] =	wrdreg s4  }
0xaa: {  	[dreg:$0x3] =	wrdreg s6  }
0xab: {  	[dreg:$0x4] =	wrdreg $0xC0  }
0xac: {  	_ =	task [dreg:s8], $0x5FFFF  }
0xad: {  	[dreg:$0x1] =	wrdreg $0xFFFFFFFF  }
0xae: {  	[dreg:$0x0] =	wrdreg $0x60  }
0xaf: {  	[dreg:$0x2] =	wrdreg s2  }
0xb0: {  	[dreg:$0x3] =	wrdreg s24  }
0xb1: {  	[dreg:$0x4] =	wrdreg s18  }
0xb2: {  	[dreg:$0x5] =	wrdreg $0x9  }
0xb3: {  	_ =	task.clear_ibuf [dreg:s8], $0x6FFFF;
	_ =	strace $0x90000046  }
0xb4: {  	s29 =	simm.s32 $0x9;
	_ =	strace $0x80000048  }
0xb5: {  	_ =	swait.ge [sflag:s29], $0x1  }
0xb6: {  	[sflag:s29] =	ssyncadd.s32 $0xFFFFFFFF  }
0xb7: {  	_ =	strace $0x90000048  }
0xb8: {  	_ =	sfence  }
0xb9: {  	s30 =	sld [smem:$0x0];
	_ =	sdelay $0x2  }
0xba: {  	s31 =	sshll.u32 s1, $0xD;
	s1 =	sshrl.u32 s1, $0x2  }
0xbb: {  	s3 =	sand.u32 $0x4000, s31;
	s1 =	sadd.s32 s1, s30  }
0xbc: {  	s0 =	sor.u32 s3, s0;
	s1 =	sshll.u32 s1, $0x11  }
0xbd: {  	s0 =	sor.u32 s1, s0  }
0xbe: {  	s0 =	sadd.s32 $0x8F2B, s0  }
0xbf: {  	[sflag:s0] =	ssyncadd.remote.s32 $0x1  }
0xc0: {  	_ =	sfence.sel $0xFFFF  }
0xc1: {  	[dreg:$0x0] =	wrdreg $0xFFFFFFFF;
	(pc) =	sbr.abs _section_cstart, $3  }
0xc2: {  	[dreg:$0x1] =	wrdreg $0xFFFFFFFF  }
0xc3: {  	_ =	task.clear_ibuf [dreg:s8], $0x2FFFF;
	_ =	strace $0x9FFFFFFF  }
0xc4: {  	(tm) =	ssettm $0x7FFFFFFF  }
0xc5: {  	_ =	shalt  }
tec
execute0_lowered:
.L_overlay_start_1:
0x0: {  	(tag) =	ssettag $0x1  }
0x1: {  	s0 =	srdreg.scid  }
0x2: {  	s11 =	sand.u32 $0x1, s0;
	s0 =	stileid.u32  }
0x3: {  	s4 =	sor.u32 s0, s11  }
0x4: {  	p0 =	sne.s32 s4, $0x0  }
.Ltmp0:
0x5: {  	_ = 	snop;
	(pc) =	sbr.rel @p0 .LBB2_4-.Ltmp0, $4  }
0x6: {  	s2 =	rddreg [dreg:$0x0]  }
0x7: {  	s6 =	rddreg [dreg:$0x1]  }
0x8: {  	s3 =	rddreg [dreg:$0x2]  }
0x9: {  	s1 =	rddreg [dreg:$0x3];
	_ =	strace $0x80000047  }
0xa: {  	s5 =	simm.s32 $0x0;
	s4 =	simm.s32 $0x1  }
0xb: {  	[tilespmem:s5], [sflag:$0x1] =	stream.linear.gather [hbm4b:s2+s5], $0x80, $0x38;
	[tilespmem:$0x300] =	vst v63  }
0xc: {  	_ =	swait.ge [sflag:s4], $0x80  }
0xd: {  	[sflag:s4] =	ssyncset.done $0x0  }
0xe: {  	[sflag:s4] =	ssyncadd.s32 $0xFFFFFF80  }
0xf: {  	v9 =	vld [tilespmem:$0x0];
	_ =	sdelay $0x4  }
0x10: {  	v0 =	vimm.s32 $0x0;
	vm0 =	vlt.s32 v9, $0x1  }
0x11: {  	[tilespmem:$0x80] =	vst v0;
	v10 =	vnsel vm0, $0x1, v9  }
0x12: {  	[tilespmem:$0x90] =	vst v10  }
0x13: {  	v1 =	vld [tilespmem:$0x8F];
	_ =	sdelay $0x4  }
0x14: {  	v1 =	vadd.s32 v10, v1  }
0x15: {  	[tilespmem:$0x90] =	vst v1  }
0x16: {  	v2 =	vld [tilespmem:$0x8E];
	_ =	sdelay $0x4  }
0x17: {  	v1 =	vadd.s32 v1, v2  }
0x18: {  	v8 =	vld [tilespmem:$0x10];
	[tilespmem:$0x90] =	vst v1  }
0x19: {  	v2 =	vld [tilespmem:$0x8C];
	_ =	sdelay $0x4  }
0x1a: {  	vm13 =	vlt.s32 v8, $0x1;
	v1 =	vadd.s32 v1, v2  }
0x1b: {  	v11 =	vnsel vm13, $0x1, v8;
	[tilespmem:$0x90] =	vst v1  }
0x1c: {  	v2 =	vld [tilespmem:$0x88];
	[tilespmem:$0x90] =	vst v11  }
0x1d: {  	v3 =	vld [tilespmem:$0x8F];
	_ =	sdelay $0x4  }
0x1e: {  	v3 =	vadd.s32 v11, v3  }
0x1f: {  	[tilespmem:$0x90] =	vst v3  }
0x20: {  	v4 =	vld [tilespmem:$0x8E];
	_ =	sdelay $0x4  }
0x21: {  	v3 =	vadd.s32 v3, v4  }
0x22: {  	v5 =	vld [tilespmem:$0x20];
	[tilespmem:$0x90] =	vst v3  }
0x23: {  	v4 =	vld [tilespmem:$0x8C];
	_ =	sdelay $0x4  }
0x24: {  	vm14 =	vlt.s32 v5, $0x1;
	v3 =	vadd.s32 v3, v4  }
0x25: {  	v12 =	vnsel vm14, $0x1, v5;
	[tilespmem:$0x90] =	vst v3  }
0x26: {  	v4 =	vld [tilespmem:$0x88];
	[tilespmem:$0x90] =	vst v12  }
0x27: {  	v6 =	vld [tilespmem:$0x8F];
	_ =	sdelay $0x4  }
0x28: {  	v6 =	vadd.s32 v12, v6  }
0x29: {  	[tilespmem:$0x90] =	vst v6  }
0x2a: {  	v7 =	vld [tilespmem:$0x8E];
	_ =	sdelay $0x4  }
0x2b: {  	v6 =	vadd.s32 v6, v7  }
0x2c: {  	v13 =	vld [tilespmem:$0x30];
	[tilespmem:$0x90] =	vst v6  }
0x2d: {  	v7 =	vld [tilespmem:$0x8C];
	_ =	sdelay $0x4  }
0x2e: {  	vm15 =	vlt.s32 v13, $0x1;
	v6 =	vadd.s32 v6, v7  }
0x2f: {  	v14 =	vnsel vm15, $0x1, v13;
	[tilespmem:$0x90] =	vst v6  }
0x30: {  	v7 =	vld [tilespmem:$0x88];
	[tilespmem:$0x90] =	vst v14  }
0x31: {  	v15 =	vld [tilespmem:$0x8F];
	_ =	sdelay $0x4  }
0x32: {  	v15 =	vadd.s32 v14, v15  }
0x33: {  	[tilespmem:$0x90] =	vst v15  }
0x34: {  	v16 =	vld [tilespmem:$0x8E];
	_ =	sdelay $0x4  }
0x35: {  	v15 =	vadd.s32 v15, v16  }
0x36: {  	[tilespmem:$0x90] =	vst v15  }
0x37: {  	v17 =	vadd.s32 v3, v4;
	v50 =	vld [tilespmem:$0x8C]  }
0x38: {  	v18 =	vadd.s32 v1, v2;
	(v2sf) =	vpush v17, $0xF  }
0x39: {  	(v2sf) =	vpush v18, $0xF;
	_ =	sdelay $0x1  }
0x3a: {  	v51 =	vadd.s32 v6, v7  }
0x3b: {  	(v2sf) =	vpush v51, $0xF;
	v15 =	vadd.s32 v15, v50  }
0x3c: {  	[tilespmem:$0x90] =	vst v15  }
0x3d: {  	v6 =	vld [tilespmem:$0x88]  }
0x3e: {  	[tilespmem:$0x200] =	vst v0  }
0x3f: {  	[tilespmem:$0x210] =	vst v0;
	v54 =	vbroadcast v18, $0xF  }
0x40: {  	[tilespmem:$0x220] =	vst v0  }
0x41: {  	[tilespmem:$0x230] =	vst v0;
	v55 =	vsub.s32 $0x1, v10;
	v58 =	vsub.s32 $0x1, v12;
	v17 =	vadd.s32 v54, v17  }
0x42: {  	[tilespmem:$0x240] =	vst v0;
	v18 =	vshll.u32 v18, $0x1;
	v7 =	vlaneseq.u32;
	v15 =	vadd.s32 v15, v6  }
0x43: {  	[tilespmem:$0x250] =	vst v0;
	v17 =	vshll.u32 v17, $0x1;
	v1 =	vmul.u32 $0x3, v7;
	(v2sf) =	vpush v15, $0xF  }
0x44: {  	[tilespmem:$0x260] =	vst v0;
	v56 =	vadd.s32 $0xFFFFFFFE, v18;
	v57 =	vadd.s32 $0xFFFFFFFE, v17;
	v17 =	vadd.s32 $0xFFFFFFFF, v17  }
0x45: {  	[tilespmem:$0x270] =	vst v0;
	v18 =	vadd.s32 $0xFFFFFFFF, v18;
	v17 =	vmul.u32 v11, v17;
	v3 =	vadd.s32 $0x63, v1  }
0x46: {  	s7 =	spop (v2sf);
	v2 =	vadd.s32 $0x3, v1;
	v4 =	vadd.s32 $0x93, v1;
	[tilespmem:$0x100] =	vst v1;
	v19 =	vsub.s32 v3, v5  }
0x47: {  	s8 =	spop (v2sf);
	v5 =	vadd.s32 $0x33, v1;
	v13 =	vsub.s32 v4, v13;
	v53 =	vsub.s32 v2, v9;
	[tilespmem:$0x160] =	vst v19  }
0x48: {  	s7 =	sadd.s32 s8, s7;
	v9 =	vadd.s32 $0x90, v1;
	v52 =	vsub.s32 v5, v8;
	[tilespmem:$0x170] =	vst v13;
	v8 =	vadd.s32 $0x60, v1  }
0x49: {  	[tilespmem:$0x140] =	vst v53;
	v19 =	vmul.u32 v10, v56;
	v10 =	vmul.u32 v10, v18;
	v16 =	vadd.s32 s7, v51  }
0x4a: {  	v18 =	vmul.u32 v11, v57;
	[tilespmem:$0x130] =	vst v9;
	v16 =	vshll.u32 v16, $0x1;
	s30 =	spop (v2sf);
	v6 =	vor.u32 $0x80, v7  }
0x4b: {  	v11 =	vsub.s32 $0x1, v11;
	[tilespmem:$0x150] =	vst v52;
	v59 =	vadd.s32 $0xFFFFFFFE, v16;
	s7 =	sadd.s32 s7, s30;
	v13 =	vmul.u32 v6, v55  }
0x4c: {  	[tilespmem:$0x120] =	vst v8;
	v7 =	vadd.s32 $0x30, v1;
	v11 =	vmul.u32 v6, v11;
	v15 =	vadd.s32 s7, v15  }
0x4d: {  	v16 =	vadd.s32 $0xFFFFFFFF, v16;
	[tilespmem:$0x110] =	vst v7;
	v15 =	vshll.u32 v15, $0x1;
	v19 =	vadd.s32 v13, v19  }
0x4e: {  	v10 =	vadd.s32 v13, v10;
	v18 =	vadd.s32 v11, v18;
	v11 =	vadd.s32 v11, v17;
	[tilespmem:$0x180] =	vst v19  }
0x4f: {  	v17 =	vmul.u32 v12, v59;
	v13 =	vmul.u32 v6, v58;
	v12 =	vmul.u32 v12, v16;
	[tilespmem:$0x1C0] =	vst v10  }
0x50: {  	v61 =	vadd.s32 $0xFFFFFFFE, v15;
	v10 =	vsub.s32 $0x1, v14;
	[tilespmem:$0x1D0] =	vst v11;
	v11 =	vadd.s32 $0xFFFFFFFF, v15  }
0x51: {  	[tilespmem:$0x190] =	vst v18;
	v62 =	vmul.u32 v14, v61;
	v60 =	vadd.s32 v13, v17;
	v10 =	vmul.u32 v6, v10  }
0x52: {  	v12 =	vadd.s32 v13, v12;
	v11 =	vmul.u32 v14, v11;
	[tilespmem:$0x1A0] =	vst v60;
	s31 =	spop (v2sf)  }
0x53: {  	[tilespmem:$0x1E0] =	vst v12;
	v63 =	vadd.s32 v10, v62;
	s7 =	sadd.s32 s7, s31  }
0x54: {  	v10 =	vadd.s32 v10, v11;
	[tilespmem:$0x1B0] =	vst v63;
	s7 =	sshll.u32 s7, $0x1  }
0x55: {  	[tilespmem:$0x1F0] =	vst v10;
	v10 =	vmov s7  }
0x56: {  	s6 =	sadd.s32 $0xA00, s6;
	s7 =	simm.s32 $0x200;
	[tilespmem:$0x280] =	vst v10  }
0x57: {  	[hbm4b:s6+s5] =	stream.linear.scatter [tilespmem:s7], [sflag:$0x1], $0x80, $0x38;
	[tilespmem:$0x300] =	vst v63  }
0x58: {  	s9 =	simm.s32 $0x180;
	s11 =	ssub.s32 $0x2, s11;
	_ =	swait.ge [sflag:s4], $0x80  }
0x59: {  	s10 =	simm.s32 $0x100;
	s12 =	sshrl.u32 s11, $0x1;
	[sflag:s4] =	ssyncset.done $0x0  }
0x5a: {  	s12 =	ssub.s32 s11, s12;
	s8 =	simm.s32 $0x80;
	[sflag:s4] =	ssyncadd.s32 $0xFFFFFF80  }
0x5b: {  	[hbm4b:s6+s8] =	stream.indirect.scatter [tilespmem:s10], [sflag:$0x1], $0x1, s9, s8, $0xb8;
	[tilespmem:$0x300] =	vst v63  }
0x5c: {  	p0 =	sne.s32 s12, $0x1;
	_ =	swait.ge [sflag:s4], $0x80  }
.Ltmp1:
0x5d: {  	[sflag:s4] =	ssyncset.done $0x0;
	(pc) =	sbr.rel @!p0 .LBB2_3-.Ltmp1, $4  }
0x5e: {  	s11 =	simm.s32 $0x280;
	[sflag:s4] =	ssyncadd.s32 $0xFFFFFF80  }
0x5f: {  	[hbm4b:s3+s5] =	stream.linear.scatter [tilespmem:s11], [sflag:$0x1], $0x80, $0x38;
	[tilespmem:$0x300] =	vst v63  }
0x60: {  	_ =	swait.ge [sflag:s4], $0x80  }
0x61: {  	s12 =	sadd.s32 $0xFFFFFFFF, s12;
	[sflag:s4] =	ssyncset.done $0x0  }
.LBB2_2:
0x62: {  	p0 =	sne.s32 s12, $0x1;
	s12 =	sadd.s32 $0xFFFFFFFF, s12;
	[sflag:s4] =	ssyncadd.s32 $0xFFFFFF80  }
0x63: {  	[tilespmem:s5], [sflag:$0x1] =	stream.linear.gather [hbm4b:s2+s5], $0x80, $0x38;
	[tilespmem:$0x300] =	vst v63  }
0x64: {  	_ =	swait.ge [sflag:s4], $0x80  }
0x65: {  	[sflag:s4] =	ssyncset.done $0x0  }
0x66: {  	[sflag:s4] =	ssyncadd.s32 $0xFFFFFF80  }
0x67: {  	[tilespmem:$0x200] =	vst v0;
	v11 =	vld [tilespmem:$0x0]  }
0x68: {  	[tilespmem:$0x210] =	vst v0;
	v12 =	vld [tilespmem:$0x10]  }
0x69: {  	[tilespmem:$0x220] =	vst v0;
	v13 =	vld [tilespmem:$0x20]  }
0x6a: {  	[tilespmem:$0x230] =	vst v0;
	v10 =	vld [tilespmem:$0x30]  }
0x6b: {  	[tilespmem:$0x240] =	vst v0  }
0x6c: {  	[tilespmem:$0x250] =	vst v0;
	vm0 =	vlt.s32 v11, $0x1;
	v14 =	vsub.s32 v2, v11  }
0x6d: {  	[tilespmem:$0x80] =	vst v0;
	v11 =	vnsel vm0, $0x1, v11;
	vm2 =	vlt.s32 v12, $0x1;
	v15 =	vsub.s32 v5, v12  }
0x6e: {  	[tilespmem:$0x90] =	vst v11;
	v16 =	vsub.s32 $0x1, v11;
	vm1 =	vlt.s32 v13, $0x1;
	v17 =	vsub.s32 v3, v13  }
0x6f: {  	v18 =	vld [tilespmem:$0x8F];
	[tilespmem:$0x160] =	vst v17;
	vm0 =	vlt.s32 v10, $0x1;
	v17 =	vsub.s32 v4, v10  }
0x70: {  	[tilespmem:$0x170] =	vst v17  }
0x71: {  	[tilespmem:$0x150] =	vst v15  }
0x72: {  	[tilespmem:$0x140] =	vst v14  }
0x73: {  	[tilespmem:$0x260] =	vst v0  }
0x74: {  	[tilespmem:$0x270] =	vst v0;
	v14 =	vadd.s32 v11, v18  }
0x75: {  	[tilespmem:$0x90] =	vst v14  }
0x76: {  	v15 =	vld [tilespmem:$0x8E];
	[tilespmem:$0x100] =	vst v1  }
0x77: {  	[tilespmem:$0x110] =	vst v7  }
0x78: {  	[tilespmem:$0x120] =	vst v8  }
0x79: {  	[tilespmem:$0x130] =	vst v9;
	_ =	sdelay $0x1  }
0x7a: {  	v14 =	vadd.s32 v14, v15  }
0x7b: {  	[tilespmem:$0x90] =	vst v14  }
0x7c: {  	v15 =	vld [tilespmem:$0x8C];
	_ =	sdelay $0x4  }
0x7d: {  	v14 =	vadd.s32 v14, v15  }
0x7e: {  	[tilespmem:$0x90] =	vst v14  }
0x7f: {  	v12 =	vnsel vm2, $0x1, v12;
	v15 =	vld [tilespmem:$0x88]  }
0x80: {  	v17 =	vsub.s32 $0x1, v12;
	[tilespmem:$0x90] =	vst v12  }
0x81: {  	v18 =	vld [tilespmem:$0x8F];
	_ =	sdelay $0x2  }
0x82: {  	v14 =	vadd.s32 v14, v15  }
0x83: {  	v15 =	vshll.u32 v14, $0x1  }
0x84: {  	v19 =	vadd.s32 $0xFFFFFFFE, v15;
	v15 =	vadd.s32 $0xFFFFFFFF, v15;
	v18 =	vadd.s32 v12, v18  }
0x85: {  	v16 =	vmul.u32 v6, v16;
	v19 =	vmul.u32 v11, v19;
	v11 =	vmul.u32 v11, v15;
	[tilespmem:$0x90] =	vst v18  }
0x86: {  	v15 =	vld [tilespmem:$0x8E]  }
0x87: {  	v19 =	vadd.s32 v16, v19;
	v11 =	vadd.s32 v16, v11  }
0x88: {  	[tilespmem:$0x180] =	vst v19  }
0x89: {  	[tilespmem:$0x1C0] =	vst v11;
	_ =	sdelay $0x1  }
0x8a: {  	v11 =	vadd.s32 v18, v15  }
0x8b: {  	[tilespmem:$0x90] =	vst v11  }
0x8c: {  	v15 =	vld [tilespmem:$0x8C];
	_ =	sdelay $0x4  }
0x8d: {  	v11 =	vadd.s32 v11, v15  }
0x8e: {  	[tilespmem:$0x90] =	vst v11  }
0x8f: {  	v13 =	vnsel vm1, $0x1, v13;
	v15 =	vld [tilespmem:$0x88]  }
0x90: {  	v16 =	vsub.s32 $0x1, v13;
	[tilespmem:$0x90] =	vst v13  }
0x91: {  	v18 =	vld [tilespmem:$0x8F];
	_ =	sdelay $0x1  }
0x92: {  	v19 =	vbroadcast v14, $0xF  }
0x93: {  	v11 =	vadd.s32 v11, v15  }
0x94: {  	v15 =	vadd.s32 v19, v11;
	(v2sf) =	vpush v11, $0xF  }
0x95: {  	v11 =	vshll.u32 v15, $0x1;
	v15 =	vadd.s32 v13, v18  }
0x96: {  	v18 =	vadd.s32 $0xFFFFFFFE, v11;
	v11 =	vadd.s32 $0xFFFFFFFF, v11;
	[tilespmem:$0x90] =	vst v15  }
0x97: {  	v17 =	vmul.u32 v6, v17;
	v18 =	vmul.u32 v12, v18;
	v11 =	vmul.u32 v12, v11;
	v12 =	vld [tilespmem:$0x8E];
	_ =	sdelay $0x1  }
0x98: {  	v18 =	vadd.s32 v17, v18;
	v11 =	vadd.s32 v17, v11  }
0x99: {  	[tilespmem:$0x190] =	vst v18;
	(v2sf) =	vpush v14, $0xF  }
0x9a: {  	[tilespmem:$0x1D0] =	vst v11  }
0x9b: {  	v11 =	vadd.s32 v15, v12  }
0x9c: {  	[tilespmem:$0x90] =	vst v11  }
0x9d: {  	v12 =	vld [tilespmem:$0x8C];
	_ =	sdelay $0x4  }
0x9e: {  	v11 =	vadd.s32 v11, v12;
	s13 =	spop (v2sf)  }
0x9f: {  	[tilespmem:$0x90] =	vst v11  }
0xa0: {  	v10 =	vnsel vm0, $0x1, v10;
	v12 =	vld [tilespmem:$0x88]  }
0xa1: {  	v14 =	vsub.s32 $0x1, v10;
	[tilespmem:$0x90] =	vst v10  }
0xa2: {  	v15 =	vld [tilespmem:$0x8F];
	_ =	sdelay $0x1  }
0xa3: {  	s14 =	spop (v2sf)  }
0xa4: {  	s13 =	sadd.s32 s14, s13;
	v11 =	vadd.s32 v11, v12  }
0xa5: {  	v12 =	vadd.s32 s13, v11;
	(v2sf) =	vpush v11, $0xF  }
0xa6: {  	v11 =	vshll.u32 v12, $0x1;
	v12 =	vadd.s32 v10, v15  }
0xa7: {  	v15 =	vadd.s32 $0xFFFFFFFE, v11;
	v11 =	vadd.s32 $0xFFFFFFFF, v11;
	[tilespmem:$0x90] =	vst v12  }
0xa8: {  	v16 =	vmul.u32 v6, v16;
	v15 =	vmul.u32 v13, v15;
	v11 =	vmul.u32 v13, v11;
	v13 =	vld [tilespmem:$0x8E];
	_ =	sdelay $0x1  }
0xa9: {  	v15 =	vadd.s32 v16, v15;
	v11 =	vadd.s32 v16, v11  }
0xaa: {  	[tilespmem:$0x1A0] =	vst v15  }
0xab: {  	[tilespmem:$0x1E0] =	vst v11  }
0xac: {  	v11 =	vadd.s32 v12, v13  }
0xad: {  	[tilespmem:$0x90] =	vst v11  }
0xae: {  	v12 =	vld [tilespmem:$0x8C];
	_ =	sdelay $0x4  }
0xaf: {  	v11 =	vadd.s32 v11, v12;
	s14 =	spop (v2sf)  }
0xb0: {  	[tilespmem:$0x90] =	vst v11  }
0xb1: {  	v12 =	vld [tilespmem:$0x88];
	_ =	sdelay $0x4  }
0xb2: {  	s13 =	sadd.s32 s13, s14;
	v11 =	vadd.s32 v11, v12  }
0xb3: {  	v12 =	vadd.s32 s13, v11;
	(v2sf) =	vpush v11, $0xF  }
0xb4: {  	v11 =	vshll.u32 v12, $0x1  }
0xb5: {  	v12 =	vadd.s32 $0xFFFFFFFE, v11;
	v11 =	vadd.s32 $0xFFFFFFFF, v11  }
0xb6: {  	v13 =	vmul.u32 v6, v14;
	v12 =	vmul.u32 v10, v12;
	v10 =	vmul.u32 v10, v11;
	_ =	sdelay $0x1  }
0xb7: {  	v11 =	vadd.s32 v13, v12;
	v10 =	vadd.s32 v13, v10  }
0xb8: {  	[tilespmem:$0x1B0] =	vst v11  }
0xb9: {  	[tilespmem:$0x1F0] =	vst v10;
	_ =	sdelay $0x7  }
0xba: {  	s14 =	spop (v2sf)  }
0xbb: {  	s13 =	sadd.s32 s13, s14  }
0xbc: {  	s13 =	sshll.u32 s13, $0x1  }
0xbd: {  	v10 =	vmov s13  }
0xbe: {  	[tilespmem:$0x280] =	vst v10  }
0xbf: {  	[hbm4b:s6+s5] =	stream.linear.scatter [tilespmem:s7], [sflag:$0x1], $0x80, $0x38;
	[tilespmem:$0x300] =	vst v63  }
0xc0: {  	_ =	swait.ge [sflag:s4], $0x80  }
0xc1: {  	[sflag:s4] =	ssyncset.done $0x0  }
0xc2: {  	[sflag:s4] =	ssyncadd.s32 $0xFFFFFF80  }
0xc3: {  	[hbm4b:s6+s8] =	stream.indirect.scatter [tilespmem:s10], [sflag:$0x1], $0x1, s9, s8, $0xb8;
	[tilespmem:$0x300] =	vst v63  }
0xc4: {  	_ =	swait.ge [sflag:s4], $0x80  }
.Ltmp2:
0xc5: {  	[sflag:s4] =	ssyncset.done $0x0;
	(pc) =	sbr.rel @p0 .LBB2_2-.Ltmp2, $4  }
0xc6: {  	[sflag:s4] =	ssyncadd.s32 $0xFFFFFF80  }
0xc7: {  	[hbm4b:s3+s5] =	stream.linear.scatter [tilespmem:s11], [sflag:$0x1], $0x80, $0x38;
	[tilespmem:$0x300] =	vst v63  }
0xc8: {  	_ =	swait.ge [sflag:s4], $0x80  }
0xc9: {  	[sflag:s4] =	ssyncset.done $0x0  }
.LBB2_3:
0xca: {  	[sflag:s4] =	ssyncadd.s32 $0xFFFFFF80  }
.LBB2_4:
0xcb: {  	_ =	sfence.sel $0x180000  }
0xcc: {  	[bflag:$0x0] =	sbarrier.arrive $0xFFFF  }
0xcd: {  	p0 =	sne.s32 s0, $0x0;
	_ =	strace $0x90000047  }
0xce: {  	s0 =	sadd.s32 @!p0 $0x100000, s1;
	[bflag:$0x2] =	sbarrier.arrive $0xFFFF  }
0xcf: {  	[sflag:s0] =	ssyncadd.tile.s32 @!p0 $0x1;
	_ =	shalt  }
.Lfunc_end2:
_tile_overlayer_lowered:
.L_overlay_start_2:
0xd0: {  	(tag) =	ssettag $0x2  }
0xd1: {  	s0 =	rddreg [dreg:$0x0];
	s2 =	stileid.u32  }
0xd2: {  	s1 =	rddreg [dreg:$0x1];
	p0 =	sne.s32 s2, $0x0  }
0xd3: {  	s3 =	rddreg [dreg:$0x2];
	[bflag:$0x3] =	sbarrier.arrive $0xFFFF;
	s2 =	simm.s32 @!p0 $0x1C01  }
0xd4: {  	[timem:s3], [sflag:s2] =	dma.local @!p0 [hbm:s0], s1  }
0xd5: {  	s0 =	simm.s32 @!p0 $0x1  }
0xd6: {  	_ =	swait.ge @!p0 [sflag:s0], s1  }
0xd7: {  	s1 =	ssub.s32 @!p0 $0x0, s1;
	[sflag:s0] =	ssyncset.done @!p0 $0x0  }
0xd8: {  	[sflag:s0] =	ssyncadd.s32 @!p0 s1  }
0xd9: {  	[bflag:$0x3] =	sbarrier.arrive $0xFFFF  }
0xda: {  	_ =	shalt  }

</sc_bundles>
